<compile_context>
chip_gen: v7x
topology: tpu7x:2x2x1
jax: 0.10.2.dev20260603
libtpu: 0.0.44.dev20260713+nightly
codegen_flags: <defaults>
</compile_context>

<pallas_src>
import functools

import jax
import jax.numpy as jnp
from jax import lax
from jax.experimental import pallas as pl
from jax.experimental.pallas import tpu as pltpu
from jax.experimental.pallas import tpu_sc as plsc

_N = 10000
_E = 320000
_D = 128
_H = 128
_FF = 256
_EPS = 1e-5

_TILES = 32
_EPT = _E // _TILES
_CHUNK = 80
_NCH = _EPT // _CHUNK
_DTILES = 10
_DROWS = _N // _DTILES
_DRAIN = 200
_DEGC = 1000

_BLK = 2000
_GRID = _N // _BLK



def _sc_body(want_deg, *refs):
    if want_deg:
        (h_hbm, src_hbm, dst_hbm, z2d_hbm, z1d_hbm, ones_hbm,
         agg_out, deg_out,
         srcs_v, dsts_v, rows0_v, rows1_v, ones_v, dstg_v,
         agg_sh, deg_sh, semg0, semg1, semd0, semd1) = refs
        semd = (semd0, semd1)
    else:
        (h_hbm, src_hbm, dst_hbm, z2d_hbm,
         agg_out,
         srcs_v, dsts_v, rows0_v, rows1_v,
         agg_sh, semg0, semg1) = refs
    rows = (rows0_v, rows1_v)
    semg = (semg0, semg1)

    c = lax.axis_index("c")
    s = lax.axis_index("s")
    wid = s * 2 + c

    pltpu.sync_copy(src_hbm.at[pl.ds(wid * _EPT, _EPT)], srcs_v)
    pltpu.sync_copy(dst_hbm.at[wid], dsts_v)

    if want_deg:
        pltpu.sync_copy(ones_hbm, ones_v)

    @pl.when(s < _DTILES)
    def _():
        for j in range(_DROWS // _DRAIN):
            pltpu.sync_copy(
                z2d_hbm, agg_sh.at[pl.ds(s * _DROWS + j * _DRAIN, _DRAIN)])
        if want_deg:
            pltpu.sync_copy(z1d_hbm, dstg_v)
            pltpu.sync_copy(dstg_v, deg_sh.at[pl.ds(s * _DEGC, _DEGC)])

    plsc.subcore_barrier()

    def sidx(i):
        return srcs_v.at[pl.ds(i * _CHUNK, _CHUNK)]

    pltpu.async_copy(h_hbm.at[sidx(0)], rows[0], semg[0])
    pltpu.async_copy(h_hbm.at[sidx(1)], rows[1], semg[1])

    def chunk(i, b, last):
        pltpu.make_async_copy(h_hbm.at[sidx(i)], rows[b], semg[b]).wait()
        if want_deg:
            if not last:
                @pl.when(i >= 2)
                def _():
                    pltpu.make_async_copy(
                        ones_v, deg_sh.at[dsts_v.at[i - 2]], semd[b]).wait()
            pltpu.make_async_copy(
                ones_v, deg_sh.at[dsts_v.at[i]], semd[b]).start(add=True)
        pltpu.sync_copy(rows[b], agg_sh.at[dsts_v.at[i]], add=True)
        if not last:
            @pl.when(i + 2 < _NCH)
            def _():
                pltpu.async_copy(h_hbm.at[sidx(i + 2)], rows[b], semg[b])

    def step(g, carry):
        for b in range(2):
            chunk(g * 2 + b, b, last=False)
        return carry

    lax.fori_loop(0, _NCH // 2, step, 0)
    chunk(_NCH - 1, 0, last=True)
    if want_deg:
        pltpu.make_async_copy(
            ones_v, deg_sh.at[dsts_v.at[_NCH - 3]], semd[0]).wait()
        pltpu.make_async_copy(
            ones_v, deg_sh.at[dsts_v.at[_NCH - 1]], semd[0]).wait()
        pltpu.make_async_copy(
            ones_v, deg_sh.at[dsts_v.at[_NCH - 2]], semd[1]).wait()

    plsc.subcore_barrier()

    @pl.when(s < _DTILES)
    def _():
        pltpu.sync_copy(agg_sh.at[pl.ds(s * _DROWS, _DROWS)],
                        agg_out.at[pl.ds(c * _N + s * _DROWS, _DROWS)])
        if want_deg:
            pltpu.sync_copy(deg_sh.at[pl.ds(s * _DEGC, _DEGC)], dstg_v)
            pltpu.sync_copy(dstg_v, deg_out.at[pl.ds(c * _N + s * _DEGC, _DEGC)])


def _build_sc_agg(want_deg):
    mesh = plsc.VectorSubcoreMesh(core_axis_name="c", subcore_axis_name="s",
                                  num_cores=2, num_subcores=16)
    out_type = [jax.ShapeDtypeStruct((2 * _N, _D), jnp.float32)]
    scratch = [
        pltpu.VMEM((_EPT,), jnp.int32),
        pltpu.VMEM((_NCH, _CHUNK), jnp.int32),
        pltpu.VMEM((_CHUNK, _D), jnp.float32),
        pltpu.VMEM((_CHUNK, _D), jnp.float32),
    ]
    if want_deg:
        out_type.append(jax.ShapeDtypeStruct((2 * _N,), jnp.float32))
        scratch += [
            pltpu.VMEM((_CHUNK,), jnp.float32),
            pltpu.VMEM((_DEGC,), jnp.float32),
        ]
    scratch += [
        pltpu.VMEM_SHARED((_N, _D), jnp.float32),
    ]
    if want_deg:
        scratch.append(pltpu.VMEM_SHARED((_N,), jnp.float32))
    scratch += [pltpu.SemaphoreType.DMA, pltpu.SemaphoreType.DMA]
    if want_deg:
        scratch += [pltpu.SemaphoreType.DMA, pltpu.SemaphoreType.DMA]

    return pl.kernel(
        functools.partial(_sc_body, want_deg),
        out_type=out_type,
        mesh=mesh,
        scratch_types=scratch,
    )



def _ln(t, g, b):
    m = jnp.mean(t, axis=1, keepdims=True)
    d = t - m
    v = jnp.mean(d * d, axis=1, keepdims=True)
    return d * lax.rsqrt(v + _EPS) * g + b


def _dense_body(x_ref, a0_ref, a1_ref, d0_ref, d1_ref,
                wg_ref, bg_ref, g1_ref, be1_ref, w1_ref, b1_ref, w2_ref,
                b2_ref, g2_ref, be2_ref, z_ref):
    deg_inv = 1.0 / (d0_ref[...] + d1_ref[...] + 1.0)
    s = (a0_ref[...] + a1_ref[...] + x_ref[...]) * deg_inv
    a = jnp.dot(s, wg_ref[...], preferred_element_type=jnp.float32) + bg_ref[...]
    y = _ln(x_ref[...] + a, g1_ref[...], be1_ref[...])
    u = jnp.maximum(
        jnp.dot(y, w1_ref[...], preferred_element_type=jnp.float32)
        + b1_ref[...], 0.0)
    u = jnp.dot(u, w2_ref[...], preferred_element_type=jnp.float32) + b2_ref[...]
    z_ref[...] = _ln(y + u, g2_ref[...], be2_ref[...])


def _tc_dense(x, agg_parts, deg_parts, p):
    row = lambda i: (i, 0)
    full = lambda i: (0, 0)
    in_specs = [
        pl.BlockSpec((_BLK, _H), row),
        pl.BlockSpec((_BLK, _H), row),
        pl.BlockSpec((_BLK, _H), lambda i: (i + _GRID, 0)),
        pl.BlockSpec((_BLK, 1), row),
        pl.BlockSpec((_BLK, 1), lambda i: (i + _GRID, 0)),
        pl.BlockSpec((_H, _H), full),
        pl.BlockSpec((1, _H), full),
        pl.BlockSpec((1, _H), full),
        pl.BlockSpec((1, _H), full),
        pl.BlockSpec((_H, _FF), full),
        pl.BlockSpec((1, _FF), full),
        pl.BlockSpec((_FF, _H), full),
        pl.BlockSpec((1, _H), full),
        pl.BlockSpec((1, _H), full),
        pl.BlockSpec((1, _H), full),
    ]
    args = [x, agg_parts, agg_parts, deg_parts, deg_parts,
            p['Wg'], p['bg'].reshape(1, _H), p['g1'].reshape(1, _H),
            p['be1'].reshape(1, _H), p['W1'], p['b1'].reshape(1, _FF),
            p['W2'], p['b2'].reshape(1, _H), p['g2'].reshape(1, _H),
            p['be2'].reshape(1, _H)]
    return pl.pallas_call(
        _dense_body,
        grid=(_GRID,),
        in_specs=in_specs,
        out_specs=pl.BlockSpec((_BLK, _H), row),
        out_shape=jax.ShapeDtypeStruct((_N, _H), jnp.float32),
    )(*args)



def kernel(x, edge_index, params):
    assert edge_index.shape == (2, _E) and x.shape == (_N, _D)
    src1d = edge_index[0]
    dst3d = edge_index[1].reshape(_TILES, _NCH, _CHUNK)
    z2d = jnp.zeros((_DRAIN, _D), jnp.float32)
    z1d = jnp.zeros((_DEGC,), jnp.float32)
    ones = jnp.ones((_CHUNK,), jnp.float32)

    p0, p1 = params
    aggp, degp = _build_sc_agg(True)(x, src1d, dst3d, z2d, z1d, ones)
    deg2 = degp.reshape(2 * _N, 1)
    z1 = _tc_dense(x, aggp, deg2, p0)
    (aggp2,) = _build_sc_agg(False)(z1, src1d, dst3d, z2d)
    out = _tc_dense(z1, aggp2, deg2, p1)
    return out

# --- scband reference (transcript-rebuilt; emitter-appended) ---
"""Pipeline reference for scband-gnnstack-53661321396292 (READ-ONLY COPY).

The authoritative reference and input builder live on the scoring server;
editing this copy changes nothing except your own understanding.
"""

import jax, jax.numpy as jnp
import numpy as np

N = 10000
E = 320000
D = 128      # conf.embedded_dims (input feature dim)
H = 128      # conf.hidden_size
FF = 256     # conf.hidden_size * intermediate_fac(=2)
NUM_LAYERS = 2  # conf.num_layers
EPS = 1e-5


def _make_layer_params(key, in_dim):
    k1, k2, k3 = jax.random.split(key, 3)
    return {
        'Wg': jax.random.normal(k1, (in_dim, H), dtype=jnp.float32) / np.sqrt(in_dim),
        'bg': jnp.zeros((H,), dtype=jnp.float32),
        'W1': jax.random.normal(k2, (H, FF), dtype=jnp.float32) / np.sqrt(H),
        'b1': jnp.zeros((FF,), dtype=jnp.float32),
        'W2': jax.random.normal(k3, (FF, H), dtype=jnp.float32) / np.sqrt(FF),
        'b2': jnp.zeros((H,), dtype=jnp.float32),
        'g1': jnp.ones((H,), dtype=jnp.float32),
        'be1': jnp.zeros((H,), dtype=jnp.float32),
        'g2': jnp.ones((H,), dtype=jnp.float32),
        'be2': jnp.zeros((H,), dtype=jnp.float32),
    }


def setup_inputs(seed: int = 0) -> dict:
    key = jax.random.key(seed)
    kx, ke, kp = jax.random.split(key, 3)
    x = jax.random.normal(kx, (N, D), dtype=jnp.float32)
    edge_index = jax.random.randint(ke, (2, E), 0, N, dtype=jnp.int32)
    params = [_make_layer_params(jax.random.fold_in(kp, l), D if l == 0 else H)
              for l in range(NUM_LAYERS)]
    return {'x': x, 'edge_index': edge_index, 'params': params}


def _layernorm(x, g, b):
    m = jnp.mean(x, axis=-1, keepdims=True)
    v = jnp.var(x, axis=-1, keepdims=True)
    return (x - m) / jnp.sqrt(v + EPS) * g + b


def _gnn_conv(x, src, dst, deg_inv, p):
    # GCN-style conv with mean aggregation (conf.gnn_aggr='mean') and self-loops
    h = x @ p['Wg']                                   # (N, H) dense transform
    msgs = jnp.take(h, src, axis=0)                   # gather over edges
    agg = jax.ops.segment_sum(msgs, dst, num_segments=N)  # scatter-add
    return agg * deg_inv[:, None] + p['bg']


def _gnn_layer(x, src, dst, deg_inv, p):
    # GNNLayer.forward: conv -> (residual + LN) -> FFN -> (residual + LN)
    # dropout is identity in eval (conf.dropout applied via Dropout modules)
    x2 = _gnn_conv(x, src, dst, deg_inv, p)
    x = _layernorm(x + x2, p['g1'], p['be1'])         # dims match (in==hidden)
    x2 = jax.nn.relu(x @ p['W1'] + p['b1']) @ p['W2'] + p['b2']
    x = _layernorm(x + x2, p['g2'], p['be2'])
    return x


def reference(x, edge_index, params):
    # add self loops (conf.add_self_loops=True)
    sl = jnp.arange(N, dtype=edge_index.dtype)
    src = jnp.concatenate([edge_index[0], sl])
    dst = jnp.concatenate([edge_index[1], sl])
    deg = jax.ops.segment_sum(jnp.ones_like(dst, dtype=jnp.float32), dst, num_segments=N)
    deg_inv = 1.0 / deg                                # deg >= 1 due to self loops
    for p in params:                                   # GNNStack over num_layers, act='none'
        x = _gnn_layer(x, src, dst, deg_inv, p)
    return x

if __name__ == "__main__":
    import jax
    _d = setup_inputs()
    print(jax.jit(kernel)(*tuple(_d.values())))

</pallas_src>

<mosaic_0001>
#map = affine_map<(d0, d1) -> (0, 0)>
#map1 = affine_map<(d0, d1) -> (0)>
#map2 = affine_map<(d0, d1) -> (0, 0, 0)>
module attributes {stable_mosaic.version = 14 : i64} {
  func.func @_sc_body(%arg0: i32, %arg1: i32, %arg2: memref<10000x128xf32, #tpu.memory_space<hbm>>, %arg3: memref<320000xi32, #tpu.memory_space<hbm>>, %arg4: memref<32x125x80xi32, #tpu.memory_space<hbm>>, %arg5: memref<200x128xf32, #tpu.memory_space<hbm>>, %arg6: memref<20000x128xf32, #tpu.memory_space<hbm>>, %arg7: memref<10000xi32, #tpu.memory_space<vmem>>, %arg8: memref<125x80xi32, #tpu.memory_space<vmem>>, %arg9: memref<80x128xf32, #tpu.memory_space<vmem>>, %arg10: memref<80x128xf32, #tpu.memory_space<vmem>>, %arg11: memref<10000x128xf32, #tpu.memory_space<vmem_shared>>, %arg12: memref<!tpu.dma_semaphore, #tpu.memory_space<semaphore_mem>>, %arg13: memref<!tpu.dma_semaphore, #tpu.memory_space<semaphore_mem>>) attributes {dimension_semantics = [#tpu.dimension_semantics<core_parallel>, #tpu.dimension_semantics<subcore_parallel>], iteration_bounds = array<i64: 2, 16>, scalar_prefetch = 0 : i64, scratch_operands = 7 : i64, tpu.core_type = #tpu.core_type<sc_vector_subcore>, window_params = [{transform_indices = #map}, {transform_indices = #map1}, {transform_indices = #map2}, {transform_indices = #map}, {transform_indices = #map}]} {
    %mul3A = arith.constant 2 : i32
    %mul3A_0 = arith.muli %arg1, %mul3A : i32
    %add3A = arith.addi %mul3A_0, %arg0 : i32
    %mul3A_1 = arith.constant 10000 : i32
    %mul3A_2 = arith.muli %add3A, %mul3A_1 : i32
    "tpu.region"() ({
      %run_scoped3A_29 = tpu.sem_alloc : memref<!tpu.dma_semaphore, #tpu.memory_space<semaphore_mem>>
      %dma_start3A_30 = tpu.memref_slice %arg3[%mul3A_2] : memref<320000xi32, #tpu.memory_space<hbm>> -> memref<10000xi32, #tpu.memory_space<hbm>>
      %dma_start3A_31 = tpu.memref_slice %arg3[%mul3A_2] : memref<320000xi32, #tpu.memory_space<hbm>> -> memref<10000xi32, #tpu.memory_space<hbm>>
      tpu.enqueue_dma source(%dma_start3A_31 : memref<10000xi32, #tpu.memory_space<hbm>>) target(%arg7 : memref<10000xi32, #tpu.memory_space<vmem>>) target_semaphore(%run_scoped3A_29 : memref<!tpu.dma_semaphore, #tpu.memory_space<semaphore_mem>>)
      %dma_wait3A_32 = tpu.memref_slice %arg3[%mul3A_2] : memref<320000xi32, #tpu.memory_space<hbm>> -> memref<10000xi32, #tpu.memory_space<hbm>>
      %dma_wait3A_33 = tpu.memref_slice %arg3[%mul3A_2] : memref<320000xi32, #tpu.memory_space<hbm>> -> memref<10000xi32, #tpu.memory_space<hbm>>
      tpu.wait_dma2 semaphore(%run_scoped3A_29 : memref<!tpu.dma_semaphore, #tpu.memory_space<semaphore_mem>>) src(%dma_wait3A_33 : memref<10000xi32, #tpu.memory_space<hbm>>) dst(%arg7 : memref<10000xi32, #tpu.memory_space<vmem>>)
      tpu.yield
    }) : () -> ()
    "tpu.region"() ({
      %run_scoped3A_29 = tpu.sem_alloc : memref<!tpu.dma_semaphore, #tpu.memory_space<semaphore_mem>>
      %dma_start3A_30 = arith.constant 0 : i32
      %dma_start3A_31 = arith.constant 0 : i32
      %dma_start3A_32 = tpu.memref_slice %arg4[%add3A, %dma_start3A_30, %dma_start3A_31] : memref<32x125x80xi32, #tpu.memory_space<hbm>> -> memref<1x125x80xi32, #tpu.memory_space<hbm>>
      %dma_start3A_33 = tpu.memref_squeeze %dma_start3A_32 : memref<1x125x80xi32, #tpu.memory_space<hbm>> -> memref<125x80xi32, #tpu.memory_space<hbm>>
      %dma_start3A_34 = arith.constant 0 : i32
      %dma_start3A_35 = arith.constant 0 : i32
      %dma_start3A_36 = tpu.memref_slice %arg4[%add3A, %dma_start3A_34, %dma_start3A_35] : memref<32x125x80xi32, #tpu.memory_space<hbm>> -> memref<1x125x80xi32, #tpu.memory_space<hbm>>
      %dma_start3A_37 = tpu.memref_squeeze %dma_start3A_36 : memref<1x125x80xi32, #tpu.memory_space<hbm>> -> memref<125x80xi32, #tpu.memory_space<hbm>>
      tpu.enqueue_dma source(%dma_start3A_37 : memref<125x80xi32, #tpu.memory_space<hbm>>) target(%arg8 : memref<125x80xi32, #tpu.memory_space<vmem>>) target_semaphore(%run_scoped3A_29 : memref<!tpu.dma_semaphore, #tpu.memory_space<semaphore_mem>>)
      %dma_wait3A_38 = arith.constant 0 : i32
      %dma_wait3A_39 = arith.constant 0 : i32
      %dma_wait3A_40 = tpu.memref_slice %arg4[%add3A, %dma_wait3A_38, %dma_wait3A_39] : memref<32x125x80xi32, #tpu.memory_space<hbm>> -> memref<1x125x80xi32, #tpu.memory_space<hbm>>
      %dma_wait3A_41 = tpu.memref_squeeze %dma_wait3A_40 : memref<1x125x80xi32, #tpu.memory_space<hbm>> -> memref<125x80xi32, #tpu.memory_space<hbm>>
      %dma_wait3A_42 = arith.constant 0 : i32
      %dma_wait3A_43 = arith.constant 0 : i32
      %dma_wait3A_44 = tpu.memref_slice %arg4[%add3A, %dma_wait3A_42, %dma_wait3A_43] : memref<32x125x80xi32, #tpu.memory_space<hbm>> -> memref<1x125x80xi32, #tpu.memory_space<hbm>>
      %dma_wait3A_45 = tpu.memref_squeeze %dma_wait3A_44 : memref<1x125x80xi32, #tpu.memory_space<hbm>> -> memref<125x80xi32, #tpu.memory_space<hbm>>
      tpu.wait_dma2 semaphore(%run_scoped3A_29 : memref<!tpu.dma_semaphore, #tpu.memory_space<semaphore_mem>>) src(%dma_wait3A_45 : memref<125x80xi32, #tpu.memory_space<hbm>>) dst(%arg8 : memref<125x80xi32, #tpu.memory_space<vmem>>)
      tpu.yield
    }) : () -> ()
    %lt3A = arith.constant 10 : i32
    %lt3A_3 = arith.cmpi slt, %arg1, %lt3A : i32
    %convert_element_type3A = arith.extui %lt3A_3 : i1 to i32
    %cond3A = arith.constant 0 : i32
    %cond3A_4 = arith.cmpi ne, %convert_element_type3A, %cond3A : i32
    scf.if %cond3A_4 {
      %mul3A_29 = arith.constant 1000 : i32
      %mul3A_30 = arith.muli %arg1, %mul3A_29 : i32
      %add3A_31 = arith.constant 0 : i32
      %add3A_32 = arith.addi %mul3A_30, %add3A_31 : i32
      "tpu.region"() ({
        %run_scoped3A_49 = tpu.sem_alloc : memref<!tpu.dma_semaphore, #tpu.memory_space<semaphore_mem>>
        %dma_start3A_50 = arith.constant 0 : i32
        %dma_start3A_51 = tpu.memref_slice %arg11[%add3A_32, %dma_start3A_50] : memref<10000x128xf32, #tpu.memory_space<vmem_shared>> -> memref<200x128xf32, #tpu.memory_space<vmem_shared>>
        tpu.enqueue_dma source(%arg5 : memref<200x128xf32, #tpu.memory_space<hbm>>) target(%dma_start3A_51 : memref<200x128xf32, #tpu.memory_space<vmem_shared>>) target_semaphore(%run_scoped3A_49 : memref<!tpu.dma_semaphore, #tpu.memory_space<semaphore_mem>>)
        %dma_wait3A_52 = arith.constant 0 : i32
        %dma_wait3A_53 = tpu.memref_slice %arg11[%add3A_32, %dma_wait3A_52] : memref<10000x128xf32, #tpu.memory_space<vmem_shared>> -> memref<200x128xf32, #tpu.memory_space<vmem_shared>>
        tpu.wait_dma2 semaphore(%run_scoped3A_49 : memref<!tpu.dma_semaphore, #tpu.memory_space<semaphore_mem>>) src(%arg5 : memref<200x128xf32, #tpu.memory_space<hbm>>) dst(%dma_wait3A_53 : memref<200x128xf32, #tpu.memory_space<vmem_shared>>)
        tpu.yield
      }) : () -> ()
      %mul3A_33 = arith.constant 1000 : i32
      %mul3A_34 = arith.muli %arg1, %mul3A_33 : i32
      %add3A_35 = arith.constant 200 : i32
      %add3A_36 = arith.addi %mul3A_34, %add3A_35 : i32
      "tpu.region"() ({
        %run_scoped3A_49 = tpu.sem_alloc : memref<!tpu.dma_semaphore, #tpu.memory_space<semaphore_mem>>
        %dma_start3A_50 = arith.constant 0 : i32
        %dma_start3A_51 = tpu.memref_slice %arg11[%add3A_36, %dma_start3A_50] : memref<10000x128xf32, #tpu.memory_space<vmem_shared>> -> memref<200x128xf32, #tpu.memory_space<vmem_shared>>
        tpu.enqueue_dma source(%arg5 : memref<200x128xf32, #tpu.memory_space<hbm>>) target(%dma_start3A_51 : memref<200x128xf32, #tpu.memory_space<vmem_shared>>) target_semaphore(%run_scoped3A_49 : memref<!tpu.dma_semaphore, #tpu.memory_space<semaphore_mem>>)
        %dma_wait3A_52 = arith.constant 0 : i32
        %dma_wait3A_53 = tpu.memref_slice %arg11[%add3A_36, %dma_wait3A_52] : memref<10000x128xf32, #tpu.memory_space<vmem_shared>> -> memref<200x128xf32, #tpu.memory_space<vmem_shared>>
        tpu.wait_dma2 semaphore(%run_scoped3A_49 : memref<!tpu.dma_semaphore, #tpu.memory_space<semaphore_mem>>) src(%arg5 : memref<200x128xf32, #tpu.memory_space<hbm>>) dst(%dma_wait3A_53 : memref<200x128xf32, #tpu.memory_space<vmem_shared>>)
        tpu.yield
      }) : () -> ()
      %mul3A_37 = arith.constant 1000 : i32
      %mul3A_38 = arith.muli %arg1, %mul3A_37 : i32
      %add3A_39 = arith.constant 400 : i32
      %add3A_40 = arith.addi %mul3A_38, %add3A_39 : i32
      "tpu.region"() ({
        %run_scoped3A_49 = tpu.sem_alloc : memref<!tpu.dma_semaphore, #tpu.memory_space<semaphore_mem>>
        %dma_start3A_50 = arith.constant 0 : i32
        %dma_start3A_51 = tpu.memref_slice %arg11[%add3A_40, %dma_start3A_50] : memref<10000x128xf32, #tpu.memory_space<vmem_shared>> -> memref<200x128xf32, #tpu.memory_space<vmem_shared>>
        tpu.enqueue_dma source(%arg5 : memref<200x128xf32, #tpu.memory_space<hbm>>) target(%dma_start3A_51 : memref<200x128xf32, #tpu.memory_space<vmem_shared>>) target_semaphore(%run_scoped3A_49 : memref<!tpu.dma_semaphore, #tpu.memory_space<semaphore_mem>>)
        %dma_wait3A_52 = arith.constant 0 : i32
        %dma_wait3A_53 = tpu.memref_slice %arg11[%add3A_40, %dma_wait3A_52] : memref<10000x128xf32, #tpu.memory_space<vmem_shared>> -> memref<200x128xf32, #tpu.memory_space<vmem_shared>>
        tpu.wait_dma2 semaphore(%run_scoped3A_49 : memref<!tpu.dma_semaphore, #tpu.memory_space<semaphore_mem>>) src(%arg5 : memref<200x128xf32, #tpu.memory_space<hbm>>) dst(%dma_wait3A_53 : memref<200x128xf32, #tpu.memory_space<vmem_shared>>)
        tpu.yield
      }) : () -> ()
      %mul3A_41 = arith.constant 1000 : i32
      %mul3A_42 = arith.muli %arg1, %mul3A_41 : i32
      %add3A_43 = arith.constant 600 : i32
      %add3A_44 = arith.addi %mul3A_42, %add3A_43 : i32
      "tpu.region"() ({
        %run_scoped3A_49 = tpu.sem_alloc : memref<!tpu.dma_semaphore, #tpu.memory_space<semaphore_mem>>
        %dma_start3A_50 = arith.constant 0 : i32
        %dma_start3A_51 = tpu.memref_slice %arg11[%add3A_44, %dma_start3A_50] : memref<10000x128xf32, #tpu.memory_space<vmem_shared>> -> memref<200x128xf32, #tpu.memory_space<vmem_shared>>
        tpu.enqueue_dma source(%arg5 : memref<200x128xf32, #tpu.memory_space<hbm>>) target(%dma_start3A_51 : memref<200x128xf32, #tpu.memory_space<vmem_shared>>) target_semaphore(%run_scoped3A_49 : memref<!tpu.dma_semaphore, #tpu.memory_space<semaphore_mem>>)
        %dma_wait3A_52 = arith.constant 0 : i32
        %dma_wait3A_53 = tpu.memref_slice %arg11[%add3A_44, %dma_wait3A_52] : memref<10000x128xf32, #tpu.memory_space<vmem_shared>> -> memref<200x128xf32, #tpu.memory_space<vmem_shared>>
        tpu.wait_dma2 semaphore(%run_scoped3A_49 : memref<!tpu.dma_semaphore, #tpu.memory_space<semaphore_mem>>) src(%arg5 : memref<200x128xf32, #tpu.memory_space<hbm>>) dst(%dma_wait3A_53 : memref<200x128xf32, #tpu.memory_space<vmem_shared>>)
        tpu.yield
      }) : () -> ()
      %mul3A_45 = arith.constant 1000 : i32
      %mul3A_46 = arith.muli %arg1, %mul3A_45 : i32
      %add3A_47 = arith.constant 800 : i32
      %add3A_48 = arith.addi %mul3A_46, %add3A_47 : i32
      "tpu.region"() ({
        %run_scoped3A_49 = tpu.sem_alloc : memref<!tpu.dma_semaphore, #tpu.memory_space<semaphore_mem>>
        %dma_start3A_50 = arith.constant 0 : i32
        %dma_start3A_51 = tpu.memref_slice %arg11[%add3A_48, %dma_start3A_50] : memref<10000x128xf32, #tpu.memory_space<vmem_shared>> -> memref<200x128xf32, #tpu.memory_space<vmem_shared>>
        tpu.enqueue_dma source(%arg5 : memref<200x128xf32, #tpu.memory_space<hbm>>) target(%dma_start3A_51 : memref<200x128xf32, #tpu.memory_space<vmem_shared>>) target_semaphore(%run_scoped3A_49 : memref<!tpu.dma_semaphore, #tpu.memory_space<semaphore_mem>>)
        %dma_wait3A_52 = arith.constant 0 : i32
        %dma_wait3A_53 = tpu.memref_slice %arg11[%add3A_48, %dma_wait3A_52] : memref<10000x128xf32, #tpu.memory_space<vmem_shared>> -> memref<200x128xf32, #tpu.memory_space<vmem_shared>>
        tpu.wait_dma2 semaphore(%run_scoped3A_49 : memref<!tpu.dma_semaphore, #tpu.memory_space<semaphore_mem>>) src(%arg5 : memref<200x128xf32, #tpu.memory_space<hbm>>) dst(%dma_wait3A_53 : memref<200x128xf32, #tpu.memory_space<vmem_shared>>)
        tpu.yield
      }) : () -> ()
    } else {
    }
    %barrier3A = arith.constant 0 : index
    tpu.barrier barrier_id(%barrier3A)
    %dma_start3A = arith.constant 0 : i32
    %dma_start3A_5 = tpu.memref_slice %arg7[%dma_start3A] : memref<10000xi32, #tpu.memory_space<vmem>> -> memref<80xi32, #tpu.memory_space<vmem>>
    %dma_start3A_6 = arith.constant 0 : i32
    %dma_start3A_7 = arith.constant 0 : i32
    %dma_start3A_8 = tpu.memref_slice %arg2[%dma_start3A_6, %dma_start3A_7] : memref<10000x128xf32, #tpu.memory_space<hbm>> -> memref<10000x128xf32, #tpu.memory_space<hbm>>
    tpu.enqueue_indirect_dma source(%dma_start3A_8 : memref<10000x128xf32, #tpu.memory_space<hbm>>) target(%arg9 : memref<80x128xf32, #tpu.memory_space<vmem>>) offsets(%dma_start3A_5 : memref<80xi32, #tpu.memory_space<vmem>>) semaphore(%arg12 : memref<!tpu.dma_semaphore, #tpu.memory_space<semaphore_mem>>)
    %dma_start3A_9 = arith.constant 80 : i32
    %dma_start3A_10 = tpu.memref_slice %arg7[%dma_start3A_9] : memref<10000xi32, #tpu.memory_space<vmem>> -> memref<80xi32, #tpu.memory_space<vmem>>
    %dma_start3A_11 = arith.constant 0 : i32
    %dma_start3A_12 = arith.constant 0 : i32
    %dma_start3A_13 = tpu.memref_slice %arg2[%dma_start3A_11, %dma_start3A_12] : memref<10000x128xf32, #tpu.memory_space<hbm>> -> memref<10000x128xf32, #tpu.memory_space<hbm>>
    tpu.enqueue_indirect_dma source(%dma_start3A_13 : memref<10000x128xf32, #tpu.memory_space<hbm>>) target(%arg10 : memref<80x128xf32, #tpu.memory_space<vmem>>) offsets(%dma_start3A_10 : memref<80xi32, #tpu.memory_space<vmem>>) semaphore(%arg13 : memref<!tpu.dma_semaphore, #tpu.memory_space<semaphore_mem>>)
    %scan3A = arith.constant 0 : i32
    %scan3A_14 = arith.constant 0 : i32
    %scan3A_15 = arith.constant 62 : i32
    %scan3A_16 = arith.addi %scan3A_14, %scan3A_15 : i32
    %scan3A_17 = arith.constant 1 : i32
    scf.for %scan3A_29 = %scan3A_14 to %scan3A_16 step %scan3A_17  : i32 {
      %mul3A_30 = arith.constant 2 : i32
      %mul3A_31 = arith.muli %scan3A_29, %mul3A_30 : i32
      %add3A_32 = arith.constant 0 : i32
      %add3A_33 = arith.addi %mul3A_31, %add3A_32 : i32
      %mul3A_34 = arith.constant 80 : i32
      %mul3A_35 = arith.muli %add3A_33, %mul3A_34 : i32
      %dma_wait3A_36 = tpu.memref_slice %arg7[%mul3A_35] : memref<10000xi32, #tpu.memory_space<vmem>> -> memref<80xi32, #tpu.memory_space<vmem>>
      %dma_wait3A_37 = arith.constant 0 : i32
      %dma_wait3A_38 = arith.constant 0 : i32
      %dma_wait3A_39 = tpu.memref_slice %arg2[%dma_wait3A_37, %dma_wait3A_38] : memref<10000x128xf32, #tpu.memory_space<hbm>> -> memref<10000x128xf32, #tpu.memory_space<hbm>>
      tpu.wait_indirect_dma semaphore(%arg12 : memref<!tpu.dma_semaphore, #tpu.memory_space<semaphore_mem>>) src(%dma_wait3A_39 : memref<10000x128xf32, #tpu.memory_space<hbm>>) dst(%arg9 : memref<80x128xf32, #tpu.memory_space<vmem>>)
      "tpu.region"() ({
        %run_scoped3A_64 = tpu.sem_alloc : memref<!tpu.dma_semaphore, #tpu.memory_space<semaphore_mem>>
        %dma_start3A_65 = arith.constant 0 : i32
        %dma_start3A_66 = tpu.memref_slice %arg8[%add3A_33, %dma_start3A_65] : memref<125x80xi32, #tpu.memory_space<vmem>> -> memref<1x80xi32, #tpu.memory_space<vmem>>
        %dma_start3A_67 = tpu.memref_squeeze %dma_start3A_66 : memref<1x80xi32, #tpu.memory_space<vmem>> -> memref<80xi32, #tpu.memory_space<vmem>>
        %dma_start3A_68 = arith.constant 0 : i32
        %dma_start3A_69 = arith.constant 0 : i32
        %dma_start3A_70 = tpu.memref_slice %arg11[%dma_start3A_68, %dma_start3A_69] : memref<10000x128xf32, #tpu.memory_space<vmem_shared>> -> memref<10000x128xf32, #tpu.memory_space<vmem_shared>>
        tpu.enqueue_indirect_dma source(%arg9 : memref<80x128xf32, #tpu.memory_space<vmem>>) target(%dma_start3A_70 : memref<10000x128xf32, #tpu.memory_space<vmem_shared>>) offsets(%dma_start3A_67 : memref<80xi32, #tpu.memory_space<vmem>>) semaphore(%run_scoped3A_64 : memref<!tpu.dma_semaphore, #tpu.memory_space<semaphore_mem>>) {add = true}
        %dma_wait3A_71 = arith.constant 0 : i32
        %dma_wait3A_72 = tpu.memref_slice %arg8[%add3A_33, %dma_wait3A_71] : memref<125x80xi32, #tpu.memory_space<vmem>> -> memref<1x80xi32, #tpu.memory_space<vmem>>
        %dma_wait3A_73 = tpu.memref_squeeze %dma_wait3A_72 : memref<1x80xi32, #tpu.memory_space<vmem>> -> memref<80xi32, #tpu.memory_space<vmem>>
        %dma_wait3A_74 = arith.constant 0 : i32
        %dma_wait3A_75 = arith.constant 0 : i32
        %dma_wait3A_76 = tpu.memref_slice %arg11[%dma_wait3A_74, %dma_wait3A_75] : memref<10000x128xf32, #tpu.memory_space<vmem_shared>> -> memref<10000x128xf32, #tpu.memory_space<vmem_shared>>
        tpu.wait_indirect_dma semaphore(%run_scoped3A_64 : memref<!tpu.dma_semaphore, #tpu.memory_space<semaphore_mem>>) src(%arg9 : memref<80x128xf32, #tpu.memory_space<vmem>>) dst(%dma_wait3A_76 : memref<10000x128xf32, #tpu.memory_space<vmem_shared>>)
        tpu.yield
      }) : () -> ()
      %add3A_40 = arith.constant 2 : i32
      %add3A_41 = arith.addi %add3A_33, %add3A_40 : i32
      %lt3A_42 = arith.constant 125 : i32
      %lt3A_43 = arith.cmpi slt, %add3A_41, %lt3A_42 : i32
      %convert_element_type3A_44 = arith.extui %lt3A_43 : i1 to i32
      %cond3A_45 = arith.constant 0 : i32
      %cond3A_46 = arith.cmpi ne, %convert_element_type3A_44, %cond3A_45 : i32
      scf.if %cond3A_46 {
        %add3A_64 = arith.constant 2 : i32
        %add3A_65 = arith.addi %add3A_33, %add3A_64 : i32
        %mul3A_66 = arith.constant 80 : i32
        %mul3A_67 = arith.muli %add3A_65, %mul3A_66 : i32
        %dma_start3A_68 = tpu.memref_slice %arg7[%mul3A_67] : memref<10000xi32, #tpu.memory_space<vmem>> -> memref<80xi32, #tpu.memory_space<vmem>>
        %dma_start3A_69 = arith.constant 0 : i32
        %dma_start3A_70 = arith.constant 0 : i32
        %dma_start3A_71 = tpu.memref_slice %arg2[%dma_start3A_69, %dma_start3A_70] : memref<10000x128xf32, #tpu.memory_space<hbm>> -> memref<10000x128xf32, #tpu.memory_space<hbm>>
        tpu.enqueue_indirect_dma source(%dma_start3A_71 : memref<10000x128xf32, #tpu.memory_space<hbm>>) target(%arg9 : memref<80x128xf32, #tpu.memory_space<vmem>>) offsets(%dma_start3A_68 : memref<80xi32, #tpu.memory_space<vmem>>) semaphore(%arg12 : memref<!tpu.dma_semaphore, #tpu.memory_space<semaphore_mem>>)
      } else {
      }
      %mul3A_47 = arith.constant 2 : i32
      %mul3A_48 = arith.muli %scan3A_29, %mul3A_47 : i32
      %add3A_49 = arith.constant 1 : i32
      %add3A_50 = arith.addi %mul3A_48, %add3A_49 : i32
      %mul3A_51 = arith.constant 80 : i32
      %mul3A_52 = arith.muli %add3A_50, %mul3A_51 : i32
      %dma_wait3A_53 = tpu.memref_slice %arg7[%mul3A_52] : memref<10000xi32, #tpu.memory_space<vmem>> -> memref<80xi32, #tpu.memory_space<vmem>>
      %dma_wait3A_54 = arith.constant 0 : i32
      %dma_wait3A_55 = arith.constant 0 : i32
      %dma_wait3A_56 = tpu.memref_slice %arg2[%dma_wait3A_54, %dma_wait3A_55] : memref<10000x128xf32, #tpu.memory_space<hbm>> -> memref<10000x128xf32, #tpu.memory_space<hbm>>
      tpu.wait_indirect_dma semaphore(%arg13 : memref<!tpu.dma_semaphore, #tpu.memory_space<semaphore_mem>>) src(%dma_wait3A_56 : memref<10000x128xf32, #tpu.memory_space<hbm>>) dst(%arg10 : memref<80x128xf32, #tpu.memory_space<vmem>>)
      "tpu.region"() ({
        %run_scoped3A_64 = tpu.sem_alloc : memref<!tpu.dma_semaphore, #tpu.memory_space<semaphore_mem>>
        %dma_start3A_65 = arith.constant 0 : i32
        %dma_start3A_66 = tpu.memref_slice %arg8[%add3A_50, %dma_start3A_65] : memref<125x80xi32, #tpu.memory_space<vmem>> -> memref<1x80xi32, #tpu.memory_space<vmem>>
        %dma_start3A_67 = tpu.memref_squeeze %dma_start3A_66 : memref<1x80xi32, #tpu.memory_space<vmem>> -> memref<80xi32, #tpu.memory_space<vmem>>
        %dma_start3A_68 = arith.constant 0 : i32
        %dma_start3A_69 = arith.constant 0 : i32
        %dma_start3A_70 = tpu.memref_slice %arg11[%dma_start3A_68, %dma_start3A_69] : memref<10000x128xf32, #tpu.memory_space<vmem_shared>> -> memref<10000x128xf32, #tpu.memory_space<vmem_shared>>
        tpu.enqueue_indirect_dma source(%arg10 : memref<80x128xf32, #tpu.memory_space<vmem>>) target(%dma_start3A_70 : memref<10000x128xf32, #tpu.memory_space<vmem_shared>>) offsets(%dma_start3A_67 : memref<80xi32, #tpu.memory_space<vmem>>) semaphore(%run_scoped3A_64 : memref<!tpu.dma_semaphore, #tpu.memory_space<semaphore_mem>>) {add = true}
        %dma_wait3A_71 = arith.constant 0 : i32
        %dma_wait3A_72 = tpu.memref_slice %arg8[%add3A_50, %dma_wait3A_71] : memref<125x80xi32, #tpu.memory_space<vmem>> -> memref<1x80xi32, #tpu.memory_space<vmem>>
        %dma_wait3A_73 = tpu.memref_squeeze %dma_wait3A_72 : memref<1x80xi32, #tpu.memory_space<vmem>> -> memref<80xi32, #tpu.memory_space<vmem>>
        %dma_wait3A_74 = arith.constant 0 : i32
        %dma_wait3A_75 = arith.constant 0 : i32
        %dma_wait3A_76 = tpu.memref_slice %arg11[%dma_wait3A_74, %dma_wait3A_75] : memref<10000x128xf32, #tpu.memory_space<vmem_shared>> -> memref<10000x128xf32, #tpu.memory_space<vmem_shared>>
        tpu.wait_indirect_dma semaphore(%run_scoped3A_64 : memref<!tpu.dma_semaphore, #tpu.memory_space<semaphore_mem>>) src(%arg10 : memref<80x128xf32, #tpu.memory_space<vmem>>) dst(%dma_wait3A_76 : memref<10000x128xf32, #tpu.memory_space<vmem_shared>>)
        tpu.yield
      }) : () -> ()
      %add3A_57 = arith.constant 2 : i32
      %add3A_58 = arith.addi %add3A_50, %add3A_57 : i32
      %lt3A_59 = arith.constant 125 : i32
      %lt3A_60 = arith.cmpi slt, %add3A_58, %lt3A_59 : i32
      %convert_element_type3A_61 = arith.extui %lt3A_60 : i1 to i32
      %cond3A_62 = arith.constant 0 : i32
      %cond3A_63 = arith.cmpi ne, %convert_element_type3A_61, %cond3A_62 : i32
      scf.if %cond3A_63 {
        %add3A_64 = arith.constant 2 : i32
        %add3A_65 = arith.addi %add3A_50, %add3A_64 : i32
        %mul3A_66 = arith.constant 80 : i32
        %mul3A_67 = arith.muli %add3A_65, %mul3A_66 : i32
        %dma_start3A_68 = tpu.memref_slice %arg7[%mul3A_67] : memref<10000xi32, #tpu.memory_space<vmem>> -> memref<80xi32, #tpu.memory_space<vmem>>
        %dma_start3A_69 = arith.constant 0 : i32
        %dma_start3A_70 = arith.constant 0 : i32
        %dma_start3A_71 = tpu.memref_slice %arg2[%dma_start3A_69, %dma_start3A_70] : memref<10000x128xf32, #tpu.memory_space<hbm>> -> memref<10000x128xf32, #tpu.memory_space<hbm>>
        tpu.enqueue_indirect_dma source(%dma_start3A_71 : memref<10000x128xf32, #tpu.memory_space<hbm>>) target(%arg10 : memref<80x128xf32, #tpu.memory_space<vmem>>) offsets(%dma_start3A_68 : memref<80xi32, #tpu.memory_space<vmem>>) semaphore(%arg13 : memref<!tpu.dma_semaphore, #tpu.memory_space<semaphore_mem>>)
      } else {
      }
    }
    %scan3A_18 = arith.constant 62 : i32
    %dma_wait3A = arith.constant 9920 : i32
    %dma_wait3A_19 = tpu.memref_slice %arg7[%dma_wait3A] : memref<10000xi32, #tpu.memory_space<vmem>> -> memref<80xi32, #tpu.memory_space<vmem>>
    %dma_wait3A_20 = arith.constant 0 : i32
    %dma_wait3A_21 = arith.constant 0 : i32
    %dma_wait3A_22 = tpu.memref_slice %arg2[%dma_wait3A_20, %dma_wait3A_21] : memref<10000x128xf32, #tpu.memory_space<hbm>> -> memref<10000x128xf32, #tpu.memory_space<hbm>>
    tpu.wait_indirect_dma semaphore(%arg12 : memref<!tpu.dma_semaphore, #tpu.memory_space<semaphore_mem>>) src(%dma_wait3A_22 : memref<10000x128xf32, #tpu.memory_space<hbm>>) dst(%arg9 : memref<80x128xf32, #tpu.memory_space<vmem>>)
    %run_scoped3A = arith.constant 124 : i32
    "tpu.region"() ({
      %run_scoped3A_29 = tpu.sem_alloc : memref<!tpu.dma_semaphore, #tpu.memory_space<semaphore_mem>>
      %dma_start3A_30 = arith.constant 0 : i32
      %dma_start3A_31 = tpu.memref_slice %arg8[%run_scoped3A, %dma_start3A_30] : memref<125x80xi32, #tpu.memory_space<vmem>> -> memref<1x80xi32, #tpu.memory_space<vmem>>
      %dma_start3A_32 = tpu.memref_squeeze %dma_start3A_31 : memref<1x80xi32, #tpu.memory_space<vmem>> -> memref<80xi32, #tpu.memory_space<vmem>>
      %dma_start3A_33 = arith.constant 0 : i32
      %dma_start3A_34 = arith.constant 0 : i32
      %dma_start3A_35 = tpu.memref_slice %arg11[%dma_start3A_33, %dma_start3A_34] : memref<10000x128xf32, #tpu.memory_space<vmem_shared>> -> memref<10000x128xf32, #tpu.memory_space<vmem_shared>>
      tpu.enqueue_indirect_dma source(%arg9 : memref<80x128xf32, #tpu.memory_space<vmem>>) target(%dma_start3A_35 : memref<10000x128xf32, #tpu.memory_space<vmem_shared>>) offsets(%dma_start3A_32 : memref<80xi32, #tpu.memory_space<vmem>>) semaphore(%run_scoped3A_29 : memref<!tpu.dma_semaphore, #tpu.memory_space<semaphore_mem>>) {add = true}
      %dma_wait3A_36 = arith.constant 0 : i32
      %dma_wait3A_37 = tpu.memref_slice %arg8[%run_scoped3A, %dma_wait3A_36] : memref<125x80xi32, #tpu.memory_space<vmem>> -> memref<1x80xi32, #tpu.memory_space<vmem>>
      %dma_wait3A_38 = tpu.memref_squeeze %dma_wait3A_37 : memref<1x80xi32, #tpu.memory_space<vmem>> -> memref<80xi32, #tpu.memory_space<vmem>>
      %dma_wait3A_39 = arith.constant 0 : i32
      %dma_wait3A_40 = arith.constant 0 : i32
      %dma_wait3A_41 = tpu.memref_slice %arg11[%dma_wait3A_39, %dma_wait3A_40] : memref<10000x128xf32, #tpu.memory_space<vmem_shared>> -> memref<10000x128xf32, #tpu.memory_space<vmem_shared>>
      tpu.wait_indirect_dma semaphore(%run_scoped3A_29 : memref<!tpu.dma_semaphore, #tpu.memory_space<semaphore_mem>>) src(%arg9 : memref<80x128xf32, #tpu.memory_space<vmem>>) dst(%dma_wait3A_41 : memref<10000x128xf32, #tpu.memory_space<vmem_shared>>)
      tpu.yield
    }) : () -> ()
    %barrier3A_23 = arith.constant 0 : index
    tpu.barrier barrier_id(%barrier3A_23)
    %lt3A_24 = arith.constant 10 : i32
    %lt3A_25 = arith.cmpi slt, %arg1, %lt3A_24 : i32
    %convert_element_type3A_26 = arith.extui %lt3A_25 : i1 to i32
    %cond3A_27 = arith.constant 0 : i32
    %cond3A_28 = arith.cmpi ne, %convert_element_type3A_26, %cond3A_27 : i32
    scf.if %cond3A_28 {
      %mul3A_29 = arith.constant 1000 : i32
      %mul3A_30 = arith.muli %arg1, %mul3A_29 : i32
      %mul3A_31 = arith.constant 10000 : i32
      %mul3A_32 = arith.muli %arg0, %mul3A_31 : i32
      %mul3A_33 = arith.constant 1000 : i32
      %mul3A_34 = arith.muli %arg1, %mul3A_33 : i32
      %add3A_35 = arith.addi %mul3A_32, %mul3A_34 : i32
      "tpu.region"() ({
        %run_scoped3A_36 = tpu.sem_alloc : memref<!tpu.dma_semaphore, #tpu.memory_space<semaphore_mem>>
        %dma_start3A_37 = arith.constant 0 : i32
        %dma_start3A_38 = tpu.memref_slice %arg6[%add3A_35, %dma_start3A_37] : memref<20000x128xf32, #tpu.memory_space<hbm>> -> memref<1000x128xf32, #tpu.memory_space<hbm>>
        %dma_start3A_39 = arith.constant 0 : i32
        %dma_start3A_40 = tpu.memref_slice %arg11[%mul3A_30, %dma_start3A_39] : memref<10000x128xf32, #tpu.memory_space<vmem_shared>> -> memref<1000x128xf32, #tpu.memory_space<vmem_shared>>
        tpu.enqueue_dma source(%dma_start3A_40 : memref<1000x128xf32, #tpu.memory_space<vmem_shared>>) target(%dma_start3A_38 : memref<1000x128xf32, #tpu.memory_space<hbm>>) target_semaphore(%run_scoped3A_36 : memref<!tpu.dma_semaphore, #tpu.memory_space<semaphore_mem>>)
        %dma_wait3A_41 = arith.constant 0 : i32
        %dma_wait3A_42 = tpu.memref_slice %arg6[%add3A_35, %dma_wait3A_41] : memref<20000x128xf32, #tpu.memory_space<hbm>> -> memref<1000x128xf32, #tpu.memory_space<hbm>>
        %dma_wait3A_43 = arith.constant 0 : i32
        %dma_wait3A_44 = tpu.memref_slice %arg11[%mul3A_30, %dma_wait3A_43] : memref<10000x128xf32, #tpu.memory_space<vmem_shared>> -> memref<1000x128xf32, #tpu.memory_space<vmem_shared>>
        tpu.wait_dma2 semaphore(%run_scoped3A_36 : memref<!tpu.dma_semaphore, #tpu.memory_space<semaphore_mem>>) src(%dma_wait3A_44 : memref<1000x128xf32, #tpu.memory_space<vmem_shared>>) dst(%dma_wait3A_42 : memref<1000x128xf32, #tpu.memory_space<hbm>>)
        tpu.yield
      }) : () -> ()
    } else {
    }
    return
  }
}

#map = affine_map<(d0, d1) -> (0, 0)>
#map1 = affine_map<(d0, d1) -> (0)>
#map2 = affine_map<(d0, d1) -> (0, 0, 0)>
module attributes {stable_mosaic.version = 14 : i64} {
  func.func @_sc_body(%arg0: i32, %arg1: i32, %arg2: memref<10000x128xf32, #tpu.memory_space<hbm>>, %arg3: memref<320000xi32, #tpu.memory_space<hbm>>, %arg4: memref<32x125x80xi32, #tpu.memory_space<hbm>>, %arg5: memref<200x128xf32, #tpu.memory_space<hbm>>, %arg6: memref<1000xf32, #tpu.memory_space<hbm>>, %arg7: memref<80xf32, #tpu.memory_space<hbm>>, %arg8: memref<20000x128xf32, #tpu.memory_space<hbm>>, %arg9: memref<20000xf32, #tpu.memory_space<hbm>>, %arg10: memref<10000xi32, #tpu.memory_space<vmem>>, %arg11: memref<125x80xi32, #tpu.memory_space<vmem>>, %arg12: memref<80x128xf32, #tpu.memory_space<vmem>>, %arg13: memref<80x128xf32, #tpu.memory_space<vmem>>, %arg14: memref<80xf32, #tpu.memory_space<vmem>>, %arg15: memref<1000xf32, #tpu.memory_space<vmem>>, %arg16: memref<10000x128xf32, #tpu.memory_space<vmem_shared>>, %arg17: memref<10000xf32, #tpu.memory_space<vmem_shared>>, %arg18: memref<!tpu.dma_semaphore, #tpu.memory_space<semaphore_mem>>, %arg19: memref<!tpu.dma_semaphore, #tpu.memory_space<semaphore_mem>>, %arg20: memref<!tpu.dma_semaphore, #tpu.memory_space<semaphore_mem>>, %arg21: memref<!tpu.dma_semaphore, #tpu.memory_space<semaphore_mem>>) attributes {dimension_semantics = [#tpu.dimension_semantics<core_parallel>, #tpu.dimension_semantics<subcore_parallel>], iteration_bounds = array<i64: 2, 16>, scalar_prefetch = 0 : i64, scratch_operands = 12 : i64, tpu.core_type = #tpu.core_type<sc_vector_subcore>, window_params = [{transform_indices = #map}, {transform_indices = #map1}, {transform_indices = #map2}, {transform_indices = #map}, {transform_indices = #map1}, {transform_indices = #map1}, {transform_indices = #map}, {transform_indices = #map1}]} {
    %mul3A = arith.constant 2 : i32
    %mul3A_0 = arith.muli %arg1, %mul3A : i32
    %add3A = arith.addi %mul3A_0, %arg0 : i32
    %mul3A_1 = arith.constant 10000 : i32
    %mul3A_2 = arith.muli %add3A, %mul3A_1 : i32
    "tpu.region"() ({
      %run_scoped3A_53 = tpu.sem_alloc : memref<!tpu.dma_semaphore, #tpu.memory_space<semaphore_mem>>
      %dma_start3A_54 = tpu.memref_slice %arg3[%mul3A_2] : memref<320000xi32, #tpu.memory_space<hbm>> -> memref<10000xi32, #tpu.memory_space<hbm>>
      %dma_start3A_55 = tpu.memref_slice %arg3[%mul3A_2] : memref<320000xi32, #tpu.memory_space<hbm>> -> memref<10000xi32, #tpu.memory_space<hbm>>
      tpu.enqueue_dma source(%dma_start3A_55 : memref<10000xi32, #tpu.memory_space<hbm>>) target(%arg10 : memref<10000xi32, #tpu.memory_space<vmem>>) target_semaphore(%run_scoped3A_53 : memref<!tpu.dma_semaphore, #tpu.memory_space<semaphore_mem>>)
      %dma_wait3A_56 = tpu.memref_slice %arg3[%mul3A_2] : memref<320000xi32, #tpu.memory_space<hbm>> -> memref<10000xi32, #tpu.memory_space<hbm>>
      %dma_wait3A_57 = tpu.memref_slice %arg3[%mul3A_2] : memref<320000xi32, #tpu.memory_space<hbm>> -> memref<10000xi32, #tpu.memory_space<hbm>>
      tpu.wait_dma2 semaphore(%run_scoped3A_53 : memref<!tpu.dma_semaphore, #tpu.memory_space<semaphore_mem>>) src(%dma_wait3A_57 : memref<10000xi32, #tpu.memory_space<hbm>>) dst(%arg10 : memref<10000xi32, #tpu.memory_space<vmem>>)
      tpu.yield
    }) : () -> ()
    "tpu.region"() ({
      %run_scoped3A_53 = tpu.sem_alloc : memref<!tpu.dma_semaphore, #tpu.memory_space<semaphore_mem>>
      %dma_start3A_54 = arith.constant 0 : i32
      %dma_start3A_55 = arith.constant 0 : i32
      %dma_start3A_56 = tpu.memref_slice %arg4[%add3A, %dma_start3A_54, %dma_start3A_55] : memref<32x125x80xi32, #tpu.memory_space<hbm>> -> memref<1x125x80xi32, #tpu.memory_space<hbm>>
      %dma_start3A_57 = tpu.memref_squeeze %dma_start3A_56 : memref<1x125x80xi32, #tpu.memory_space<hbm>> -> memref<125x80xi32, #tpu.memory_space<hbm>>
      %dma_start3A_58 = arith.constant 0 : i32
      %dma_start3A_59 = arith.constant 0 : i32
      %dma_start3A_60 = tpu.memref_slice %arg4[%add3A, %dma_start3A_58, %dma_start3A_59] : memref<32x125x80xi32, #tpu.memory_space<hbm>> -> memref<1x125x80xi32, #tpu.memory_space<hbm>>
      %dma_start3A_61 = tpu.memref_squeeze %dma_start3A_60 : memref<1x125x80xi32, #tpu.memory_space<hbm>> -> memref<125x80xi32, #tpu.memory_space<hbm>>
      tpu.enqueue_dma source(%dma_start3A_61 : memref<125x80xi32, #tpu.memory_space<hbm>>) target(%arg11 : memref<125x80xi32, #tpu.memory_space<vmem>>) target_semaphore(%run_scoped3A_53 : memref<!tpu.dma_semaphore, #tpu.memory_space<semaphore_mem>>)
      %dma_wait3A_62 = arith.constant 0 : i32
      %dma_wait3A_63 = arith.constant 0 : i32
      %dma_wait3A_64 = tpu.memref_slice %arg4[%add3A, %dma_wait3A_62, %dma_wait3A_63] : memref<32x125x80xi32, #tpu.memory_space<hbm>> -> memref<1x125x80xi32, #tpu.memory_space<hbm>>
      %dma_wait3A_65 = tpu.memref_squeeze %dma_wait3A_64 : memref<1x125x80xi32, #tpu.memory_space<hbm>> -> memref<125x80xi32, #tpu.memory_space<hbm>>
      %dma_wait3A_66 = arith.constant 0 : i32
      %dma_wait3A_67 = arith.constant 0 : i32
      %dma_wait3A_68 = tpu.memref_slice %arg4[%add3A, %dma_wait3A_66, %dma_wait3A_67] : memref<32x125x80xi32, #tpu.memory_space<hbm>> -> memref<1x125x80xi32, #tpu.memory_space<hbm>>
      %dma_wait3A_69 = tpu.memref_squeeze %dma_wait3A_68 : memref<1x125x80xi32, #tpu.memory_space<hbm>> -> memref<125x80xi32, #tpu.memory_space<hbm>>
      tpu.wait_dma2 semaphore(%run_scoped3A_53 : memref<!tpu.dma_semaphore, #tpu.memory_space<semaphore_mem>>) src(%dma_wait3A_69 : memref<125x80xi32, #tpu.memory_space<hbm>>) dst(%arg11 : memref<125x80xi32, #tpu.memory_space<vmem>>)
      tpu.yield
    }) : () -> ()
    "tpu.region"() ({
      %run_scoped3A_53 = tpu.sem_alloc : memref<!tpu.dma_semaphore, #tpu.memory_space<semaphore_mem>>
      tpu.enqueue_dma source(%arg7 : memref<80xf32, #tpu.memory_space<hbm>>) target(%arg14 : memref<80xf32, #tpu.memory_space<vmem>>) target_semaphore(%run_scoped3A_53 : memref<!tpu.dma_semaphore, #tpu.memory_space<semaphore_mem>>)
      tpu.wait_dma2 semaphore(%run_scoped3A_53 : memref<!tpu.dma_semaphore, #tpu.memory_space<semaphore_mem>>) src(%arg7 : memref<80xf32, #tpu.memory_space<hbm>>) dst(%arg14 : memref<80xf32, #tpu.memory_space<vmem>>)
      tpu.yield
    }) : () -> ()
    %lt3A = arith.constant 10 : i32
    %lt3A_3 = arith.cmpi slt, %arg1, %lt3A : i32
    %convert_element_type3A = arith.extui %lt3A_3 : i1 to i32
    %cond3A = arith.constant 0 : i32
    %cond3A_4 = arith.cmpi ne, %convert_element_type3A, %cond3A : i32
    scf.if %cond3A_4 {
      %mul3A_53 = arith.constant 1000 : i32
      %mul3A_54 = arith.muli %arg1, %mul3A_53 : i32
      %add3A_55 = arith.constant 0 : i32
      %add3A_56 = arith.addi %mul3A_54, %add3A_55 : i32
      "tpu.region"() ({
        %run_scoped3A_75 = tpu.sem_alloc : memref<!tpu.dma_semaphore, #tpu.memory_space<semaphore_mem>>
        %dma_start3A_76 = arith.constant 0 : i32
        %dma_start3A_77 = tpu.memref_slice %arg16[%add3A_56, %dma_start3A_76] : memref<10000x128xf32, #tpu.memory_space<vmem_shared>> -> memref<200x128xf32, #tpu.memory_space<vmem_shared>>
        tpu.enqueue_dma source(%arg5 : memref<200x128xf32, #tpu.memory_space<hbm>>) target(%dma_start3A_77 : memref<200x128xf32, #tpu.memory_space<vmem_shared>>) target_semaphore(%run_scoped3A_75 : memref<!tpu.dma_semaphore, #tpu.memory_space<semaphore_mem>>)
        %dma_wait3A_78 = arith.constant 0 : i32
        %dma_wait3A_79 = tpu.memref_slice %arg16[%add3A_56, %dma_wait3A_78] : memref<10000x128xf32, #tpu.memory_space<vmem_shared>> -> memref<200x128xf32, #tpu.memory_space<vmem_shared>>
        tpu.wait_dma2 semaphore(%run_scoped3A_75 : memref<!tpu.dma_semaphore, #tpu.memory_space<semaphore_mem>>) src(%arg5 : memref<200x128xf32, #tpu.memory_space<hbm>>) dst(%dma_wait3A_79 : memref<200x128xf32, #tpu.memory_space<vmem_shared>>)
        tpu.yield
      }) : () -> ()
      %mul3A_57 = arith.constant 1000 : i32
      %mul3A_58 = arith.muli %arg1, %mul3A_57 : i32
      %add3A_59 = arith.constant 200 : i32
      %add3A_60 = arith.addi %mul3A_58, %add3A_59 : i32
      "tpu.region"() ({
        %run_scoped3A_75 = tpu.sem_alloc : memref<!tpu.dma_semaphore, #tpu.memory_space<semaphore_mem>>
        %dma_start3A_76 = arith.constant 0 : i32
        %dma_start3A_77 = tpu.memref_slice %arg16[%add3A_60, %dma_start3A_76] : memref<10000x128xf32, #tpu.memory_space<vmem_shared>> -> memref<200x128xf32, #tpu.memory_space<vmem_shared>>
        tpu.enqueue_dma source(%arg5 : memref<200x128xf32, #tpu.memory_space<hbm>>) target(%dma_start3A_77 : memref<200x128xf32, #tpu.memory_space<vmem_shared>>) target_semaphore(%run_scoped3A_75 : memref<!tpu.dma_semaphore, #tpu.memory_space<semaphore_mem>>)
        %dma_wait3A_78 = arith.constant 0 : i32
        %dma_wait3A_79 = tpu.memref_slice %arg16[%add3A_60, %dma_wait3A_78] : memref<10000x128xf32, #tpu.memory_space<vmem_shared>> -> memref<200x128xf32, #tpu.memory_space<vmem_shared>>
        tpu.wait_dma2 semaphore(%run_scoped3A_75 : memref<!tpu.dma_semaphore, #tpu.memory_space<semaphore_mem>>) src(%arg5 : memref<200x128xf32, #tpu.memory_space<hbm>>) dst(%dma_wait3A_79 : memref<200x128xf32, #tpu.memory_space<vmem_shared>>)
        tpu.yield
      }) : () -> ()
      %mul3A_61 = arith.constant 1000 : i32
      %mul3A_62 = arith.muli %arg1, %mul3A_61 : i32
      %add3A_63 = arith.constant 400 : i32
      %add3A_64 = arith.addi %mul3A_62, %add3A_63 : i32
      "tpu.region"() ({
        %run_scoped3A_75 = tpu.sem_alloc : memref<!tpu.dma_semaphore, #tpu.memory_space<semaphore_mem>>
        %dma_start3A_76 = arith.constant 0 : i32
        %dma_start3A_77 = tpu.memref_slice %arg16[%add3A_64, %dma_start3A_76] : memref<10000x128xf32, #tpu.memory_space<vmem_shared>> -> memref<200x128xf32, #tpu.memory_space<vmem_shared>>
        tpu.enqueue_dma source(%arg5 : memref<200x128xf32, #tpu.memory_space<hbm>>) target(%dma_start3A_77 : memref<200x128xf32, #tpu.memory_space<vmem_shared>>) target_semaphore(%run_scoped3A_75 : memref<!tpu.dma_semaphore, #tpu.memory_space<semaphore_mem>>)
        %dma_wait3A_78 = arith.constant 0 : i32
        %dma_wait3A_79 = tpu.memref_slice %arg16[%add3A_64, %dma_wait3A_78] : memref<10000x128xf32, #tpu.memory_space<vmem_shared>> -> memref<200x128xf32, #tpu.memory_space<vmem_shared>>
        tpu.wait_dma2 semaphore(%run_scoped3A_75 : memref<!tpu.dma_semaphore, #tpu.memory_space<semaphore_mem>>) src(%arg5 : memref<200x128xf32, #tpu.memory_space<hbm>>) dst(%dma_wait3A_79 : memref<200x128xf32, #tpu.memory_space<vmem_shared>>)
        tpu.yield
      }) : () -> ()
      %mul3A_65 = arith.constant 1000 : i32
      %mul3A_66 = arith.muli %arg1, %mul3A_65 : i32
      %add3A_67 = arith.constant 600 : i32
      %add3A_68 = arith.addi %mul3A_66, %add3A_67 : i32
      "tpu.region"() ({
        %run_scoped3A_75 = tpu.sem_alloc : memref<!tpu.dma_semaphore, #tpu.memory_space<semaphore_mem>>
        %dma_start3A_76 = arith.constant 0 : i32
        %dma_start3A_77 = tpu.memref_slice %arg16[%add3A_68, %dma_start3A_76] : memref<10000x128xf32, #tpu.memory_space<vmem_shared>> -> memref<200x128xf32, #tpu.memory_space<vmem_shared>>
        tpu.enqueue_dma source(%arg5 : memref<200x128xf32, #tpu.memory_space<hbm>>) target(%dma_start3A_77 : memref<200x128xf32, #tpu.memory_space<vmem_shared>>) target_semaphore(%run_scoped3A_75 : memref<!tpu.dma_semaphore, #tpu.memory_space<semaphore_mem>>)
        %dma_wait3A_78 = arith.constant 0 : i32
        %dma_wait3A_79 = tpu.memref_slice %arg16[%add3A_68, %dma_wait3A_78] : memref<10000x128xf32, #tpu.memory_space<vmem_shared>> -> memref<200x128xf32, #tpu.memory_space<vmem_shared>>
        tpu.wait_dma2 semaphore(%run_scoped3A_75 : memref<!tpu.dma_semaphore, #tpu.memory_space<semaphore_mem>>) src(%arg5 : memref<200x128xf32, #tpu.memory_space<hbm>>) dst(%dma_wait3A_79 : memref<200x128xf32, #tpu.memory_space<vmem_shared>>)
        tpu.yield
      }) : () -> ()
      %mul3A_69 = arith.constant 1000 : i32
      %mul3A_70 = arith.muli %arg1, %mul3A_69 : i32
      %add3A_71 = arith.constant 800 : i32
      %add3A_72 = arith.addi %mul3A_70, %add3A_71 : i32
      "tpu.region"() ({
        %run_scoped3A_75 = tpu.sem_alloc : memref<!tpu.dma_semaphore, #tpu.memory_space<semaphore_mem>>
        %dma_start3A_76 = arith.constant 0 : i32
        %dma_start3A_77 = tpu.memref_slice %arg16[%add3A_72, %dma_start3A_76] : memref<10000x128xf32, #tpu.memory_space<vmem_shared>> -> memref<200x128xf32, #tpu.memory_space<vmem_shared>>
        tpu.enqueue_dma source(%arg5 : memref<200x128xf32, #tpu.memory_space<hbm>>) target(%dma_start3A_77 : memref<200x128xf32, #tpu.memory_space<vmem_shared>>) target_semaphore(%run_scoped3A_75 : memref<!tpu.dma_semaphore, #tpu.memory_space<semaphore_mem>>)
        %dma_wait3A_78 = arith.constant 0 : i32
        %dma_wait3A_79 = tpu.memref_slice %arg16[%add3A_72, %dma_wait3A_78] : memref<10000x128xf32, #tpu.memory_space<vmem_shared>> -> memref<200x128xf32, #tpu.memory_space<vmem_shared>>
        tpu.wait_dma2 semaphore(%run_scoped3A_75 : memref<!tpu.dma_semaphore, #tpu.memory_space<semaphore_mem>>) src(%arg5 : memref<200x128xf32, #tpu.memory_space<hbm>>) dst(%dma_wait3A_79 : memref<200x128xf32, #tpu.memory_space<vmem_shared>>)
        tpu.yield
      }) : () -> ()
      "tpu.region"() ({
        %run_scoped3A_75 = tpu.sem_alloc : memref<!tpu.dma_semaphore, #tpu.memory_space<semaphore_mem>>
        tpu.enqueue_dma source(%arg6 : memref<1000xf32, #tpu.memory_space<hbm>>) target(%arg15 : memref<1000xf32, #tpu.memory_space<vmem>>) target_semaphore(%run_scoped3A_75 : memref<!tpu.dma_semaphore, #tpu.memory_space<semaphore_mem>>)
        tpu.wait_dma2 semaphore(%run_scoped3A_75 : memref<!tpu.dma_semaphore, #tpu.memory_space<semaphore_mem>>) src(%arg6 : memref<1000xf32, #tpu.memory_space<hbm>>) dst(%arg15 : memref<1000xf32, #tpu.memory_space<vmem>>)
        tpu.yield
      }) : () -> ()
      %mul3A_73 = arith.constant 1000 : i32
      %mul3A_74 = arith.muli %arg1, %mul3A_73 : i32
      "tpu.region"() ({
        %run_scoped3A_75 = tpu.sem_alloc : memref<!tpu.dma_semaphore, #tpu.memory_space<semaphore_mem>>
        %dma_start3A_76 = tpu.memref_slice %arg17[%mul3A_74] : memref<10000xf32, #tpu.memory_space<vmem_shared>> -> memref<1000xf32, #tpu.memory_space<vmem_shared>>
        %dma_start3A_77 = tpu.memref_slice %arg17[%mul3A_74] : memref<10000xf32, #tpu.memory_space<vmem_shared>> -> memref<1000xf32, #tpu.memory_space<vmem_shared>>
        tpu.enqueue_dma source(%arg15 : memref<1000xf32, #tpu.memory_space<vmem>>) target(%dma_start3A_77 : memref<1000xf32, #tpu.memory_space<vmem_shared>>) target_semaphore(%run_scoped3A_75 : memref<!tpu.dma_semaphore, #tpu.memory_space<semaphore_mem>>)
        %dma_wait3A_78 = tpu.memref_slice %arg17[%mul3A_74] : memref<10000xf32, #tpu.memory_space<vmem_shared>> -> memref<1000xf32, #tpu.memory_space<vmem_shared>>
        %dma_wait3A_79 = tpu.memref_slice %arg17[%mul3A_74] : memref<10000xf32, #tpu.memory_space<vmem_shared>> -> memref<1000xf32, #tpu.memory_space<vmem_shared>>
        tpu.wait_dma2 semaphore(%run_scoped3A_75 : memref<!tpu.dma_semaphore, #tpu.memory_space<semaphore_mem>>) src(%arg15 : memref<1000xf32, #tpu.memory_space<vmem>>) dst(%dma_wait3A_79 : memref<1000xf32, #tpu.memory_space<vmem_shared>>)
        tpu.yield
      }) : () -> ()
    } else {
    }
    %barrier3A = arith.constant 0 : index
    tpu.barrier barrier_id(%barrier3A)
    %dma_start3A = arith.constant 0 : i32
    %dma_start3A_5 = tpu.memref_slice %arg10[%dma_start3A] : memref<10000xi32, #tpu.memory_space<vmem>> -> memref<80xi32, #tpu.memory_space<vmem>>
    %dma_start3A_6 = arith.constant 0 : i32
    %dma_start3A_7 = arith.constant 0 : i32
    %dma_start3A_8 = tpu.memref_slice %arg2[%dma_start3A_6, %dma_start3A_7] : memref<10000x128xf32, #tpu.memory_space<hbm>> -> memref<10000x128xf32, #tpu.memory_space<hbm>>
    tpu.enqueue_indirect_dma source(%dma_start3A_8 : memref<10000x128xf32, #tpu.memory_space<hbm>>) target(%arg12 : memref<80x128xf32, #tpu.memory_space<vmem>>) offsets(%dma_start3A_5 : memref<80xi32, #tpu.memory_space<vmem>>) semaphore(%arg18 : memref<!tpu.dma_semaphore, #tpu.memory_space<semaphore_mem>>)
    %dma_start3A_9 = arith.constant 80 : i32
    %dma_start3A_10 = tpu.memref_slice %arg10[%dma_start3A_9] : memref<10000xi32, #tpu.memory_space<vmem>> -> memref<80xi32, #tpu.memory_space<vmem>>
    %dma_start3A_11 = arith.constant 0 : i32
    %dma_start3A_12 = arith.constant 0 : i32
    %dma_start3A_13 = tpu.memref_slice %arg2[%dma_start3A_11, %dma_start3A_12] : memref<10000x128xf32, #tpu.memory_space<hbm>> -> memref<10000x128xf32, #tpu.memory_space<hbm>>
    tpu.enqueue_indirect_dma source(%dma_start3A_13 : memref<10000x128xf32, #tpu.memory_space<hbm>>) target(%arg13 : memref<80x128xf32, #tpu.memory_space<vmem>>) offsets(%dma_start3A_10 : memref<80xi32, #tpu.memory_space<vmem>>) semaphore(%arg19 : memref<!tpu.dma_semaphore, #tpu.memory_space<semaphore_mem>>)
    %scan3A = arith.constant 0 : i32
    %scan3A_14 = arith.constant 0 : i32
    %scan3A_15 = arith.constant 62 : i32
    %scan3A_16 = arith.addi %scan3A_14, %scan3A_15 : i32
    %scan3A_17 = arith.constant 1 : i32
    scf.for %scan3A_53 = %scan3A_14 to %scan3A_16 step %scan3A_17  : i32 {
      %mul3A_54 = arith.constant 2 : i32
      %mul3A_55 = arith.muli %scan3A_53, %mul3A_54 : i32
      %add3A_56 = arith.constant 0 : i32
      %add3A_57 = arith.addi %mul3A_55, %add3A_56 : i32
      %mul3A_58 = arith.constant 80 : i32
      %mul3A_59 = arith.muli %add3A_57, %mul3A_58 : i32
      %dma_wait3A_60 = tpu.memref_slice %arg10[%mul3A_59] : memref<10000xi32, #tpu.memory_space<vmem>> -> memref<80xi32, #tpu.memory_space<vmem>>
      %dma_wait3A_61 = arith.constant 0 : i32
      %dma_wait3A_62 = arith.constant 0 : i32
      %dma_wait3A_63 = tpu.memref_slice %arg2[%dma_wait3A_61, %dma_wait3A_62] : memref<10000x128xf32, #tpu.memory_space<hbm>> -> memref<10000x128xf32, #tpu.memory_space<hbm>>
      tpu.wait_indirect_dma semaphore(%arg18 : memref<!tpu.dma_semaphore, #tpu.memory_space<semaphore_mem>>) src(%dma_wait3A_63 : memref<10000x128xf32, #tpu.memory_space<hbm>>) dst(%arg12 : memref<80x128xf32, #tpu.memory_space<vmem>>)
      %ge3A = arith.constant 2 : i32
      %ge3A_64 = arith.cmpi sge, %add3A_57, %ge3A : i32
      %convert_element_type3A_65 = arith.extui %ge3A_64 : i1 to i32
      %cond3A_66 = arith.constant 0 : i32
      %cond3A_67 = arith.cmpi ne, %convert_element_type3A_65, %cond3A_66 : i32
      scf.if %cond3A_67 {
        %sub3A = arith.constant 2 : i32
        %sub3A_107 = arith.subi %add3A_57, %sub3A : i32
        %dma_wait3A_108 = arith.constant 0 : i32
        %dma_wait3A_109 = tpu.memref_slice %arg11[%sub3A_107, %dma_wait3A_108] : memref<125x80xi32, #tpu.memory_space<vmem>> -> memref<1x80xi32, #tpu.memory_space<vmem>>
        %dma_wait3A_110 = tpu.memref_squeeze %dma_wait3A_109 : memref<1x80xi32, #tpu.memory_space<vmem>> -> memref<80xi32, #tpu.memory_space<vmem>>
        %dma_wait3A_111 = arith.constant 0 : i32
        %dma_wait3A_112 = tpu.memref_slice %arg17[%dma_wait3A_111] : memref<10000xf32, #tpu.memory_space<vmem_shared>> -> memref<10000xf32, #tpu.memory_space<vmem_shared>>
        tpu.wait_indirect_dma semaphore(%arg20 : memref<!tpu.dma_semaphore, #tpu.memory_space<semaphore_mem>>) src(%arg14 : memref<80xf32, #tpu.memory_space<vmem>>) dst(%dma_wait3A_112 : memref<10000xf32, #tpu.memory_space<vmem_shared>>)
      } else {
      }
      %dma_start3A_68 = arith.constant 0 : i32
      %dma_start3A_69 = tpu.memref_slice %arg11[%add3A_57, %dma_start3A_68] : memref<125x80xi32, #tpu.memory_space<vmem>> -> memref<1x80xi32, #tpu.memory_space<vmem>>
      %dma_start3A_70 = tpu.memref_squeeze %dma_start3A_69 : memref<1x80xi32, #tpu.memory_space<vmem>> -> memref<80xi32, #tpu.memory_space<vmem>>
      %dma_start3A_71 = arith.constant 0 : i32
      %dma_start3A_72 = tpu.memref_slice %arg17[%dma_start3A_71] : memref<10000xf32, #tpu.memory_space<vmem_shared>> -> memref<10000xf32, #tpu.memory_space<vmem_shared>>
      tpu.enqueue_indirect_dma source(%arg14 : memref<80xf32, #tpu.memory_space<vmem>>) target(%dma_start3A_72 : memref<10000xf32, #tpu.memory_space<vmem_shared>>) offsets(%dma_start3A_70 : memref<80xi32, #tpu.memory_space<vmem>>) semaphore(%arg20 : memref<!tpu.dma_semaphore, #tpu.memory_space<semaphore_mem>>) {add = true}
      "tpu.region"() ({
        %run_scoped3A_107 = tpu.sem_alloc : memref<!tpu.dma_semaphore, #tpu.memory_space<semaphore_mem>>
        %dma_start3A_108 = arith.constant 0 : i32
        %dma_start3A_109 = tpu.memref_slice %arg11[%add3A_57, %dma_start3A_108] : memref<125x80xi32, #tpu.memory_space<vmem>> -> memref<1x80xi32, #tpu.memory_space<vmem>>
        %dma_start3A_110 = tpu.memref_squeeze %dma_start3A_109 : memref<1x80xi32, #tpu.memory_space<vmem>> -> memref<80xi32, #tpu.memory_space<vmem>>
        %dma_start3A_111 = arith.constant 0 : i32
        %dma_start3A_112 = arith.constant 0 : i32
        %dma_start3A_113 = tpu.memref_slice %arg16[%dma_start3A_111, %dma_start3A_112] : memref<10000x128xf32, #tpu.memory_space<vmem_shared>> -> memref<10000x128xf32, #tpu.memory_space<vmem_shared>>
        tpu.enqueue_indirect_dma source(%arg12 : memref<80x128xf32, #tpu.memory_space<vmem>>) target(%dma_start3A_113 : memref<10000x128xf32, #tpu.memory_space<vmem_shared>>) offsets(%dma_start3A_110 : memref<80xi32, #tpu.memory_space<vmem>>) semaphore(%run_scoped3A_107 : memref<!tpu.dma_semaphore, #tpu.memory_space<semaphore_mem>>) {add = true}
        %dma_wait3A_114 = arith.constant 0 : i32
        %dma_wait3A_115 = tpu.memref_slice %arg11[%add3A_57, %dma_wait3A_114] : memref<125x80xi32, #tpu.memory_space<vmem>> -> memref<1x80xi32, #tpu.memory_space<vmem>>
        %dma_wait3A_116 = tpu.memref_squeeze %dma_wait3A_115 : memref<1x80xi32, #tpu.memory_space<vmem>> -> memref<80xi32, #tpu.memory_space<vmem>>
        %dma_wait3A_117 = arith.constant 0 : i32
        %dma_wait3A_118 = arith.constant 0 : i32
        %dma_wait3A_119 = tpu.memref_slice %arg16[%dma_wait3A_117, %dma_wait3A_118] : memref<10000x128xf32, #tpu.memory_space<vmem_shared>> -> memref<10000x128xf32, #tpu.memory_space<vmem_shared>>
        tpu.wait_indirect_dma semaphore(%run_scoped3A_107 : memref<!tpu.dma_semaphore, #tpu.memory_space<semaphore_mem>>) src(%arg12 : memref<80x128xf32, #tpu.memory_space<vmem>>) dst(%dma_wait3A_119 : memref<10000x128xf32, #tpu.memory_space<vmem_shared>>)
        tpu.yield
      }) : () -> ()
      %add3A_73 = arith.constant 2 : i32
      %add3A_74 = arith.addi %add3A_57, %add3A_73 : i32
      %lt3A_75 = arith.constant 125 : i32
      %lt3A_76 = arith.cmpi slt, %add3A_74, %lt3A_75 : i32
      %convert_element_type3A_77 = arith.extui %lt3A_76 : i1 to i32
      %cond3A_78 = arith.constant 0 : i32
      %cond3A_79 = arith.cmpi ne, %convert_element_type3A_77, %cond3A_78 : i32
      scf.if %cond3A_79 {
        %add3A_107 = arith.constant 2 : i32
        %add3A_108 = arith.addi %add3A_57, %add3A_107 : i32
        %mul3A_109 = arith.constant 80 : i32
        %mul3A_110 = arith.muli %add3A_108, %mul3A_109 : i32
        %dma_start3A_111 = tpu.memref_slice %arg10[%mul3A_110] : memref<10000xi32, #tpu.memory_space<vmem>> -> memref<80xi32, #tpu.memory_space<vmem>>
        %dma_start3A_112 = arith.constant 0 : i32
        %dma_start3A_113 = arith.constant 0 : i32
        %dma_start3A_114 = tpu.memref_slice %arg2[%dma_start3A_112, %dma_start3A_113] : memref<10000x128xf32, #tpu.memory_space<hbm>> -> memref<10000x128xf32, #tpu.memory_space<hbm>>
        tpu.enqueue_indirect_dma source(%dma_start3A_114 : memref<10000x128xf32, #tpu.memory_space<hbm>>) target(%arg12 : memref<80x128xf32, #tpu.memory_space<vmem>>) offsets(%dma_start3A_111 : memref<80xi32, #tpu.memory_space<vmem>>) semaphore(%arg18 : memref<!tpu.dma_semaphore, #tpu.memory_space<semaphore_mem>>)
      } else {
      }
      %mul3A_80 = arith.constant 2 : i32
      %mul3A_81 = arith.muli %scan3A_53, %mul3A_80 : i32
      %add3A_82 = arith.constant 1 : i32
      %add3A_83 = arith.addi %mul3A_81, %add3A_82 : i32
      %mul3A_84 = arith.constant 80 : i32
      %mul3A_85 = arith.muli %add3A_83, %mul3A_84 : i32
      %dma_wait3A_86 = tpu.memref_slice %arg10[%mul3A_85] : memref<10000xi32, #tpu.memory_space<vmem>> -> memref<80xi32, #tpu.memory_space<vmem>>
      %dma_wait3A_87 = arith.constant 0 : i32
      %dma_wait3A_88 = arith.constant 0 : i32
      %dma_wait3A_89 = tpu.memref_slice %arg2[%dma_wait3A_87, %dma_wait3A_88] : memref<10000x128xf32, #tpu.memory_space<hbm>> -> memref<10000x128xf32, #tpu.memory_space<hbm>>
      tpu.wait_indirect_dma semaphore(%arg19 : memref<!tpu.dma_semaphore, #tpu.memory_space<semaphore_mem>>) src(%dma_wait3A_89 : memref<10000x128xf32, #tpu.memory_space<hbm>>) dst(%arg13 : memref<80x128xf32, #tpu.memory_space<vmem>>)
      %ge3A_90 = arith.constant 2 : i32
      %ge3A_91 = arith.cmpi sge, %add3A_83, %ge3A_90 : i32
      %convert_element_type3A_92 = arith.extui %ge3A_91 : i1 to i32
      %cond3A_93 = arith.constant 0 : i32
      %cond3A_94 = arith.cmpi ne, %convert_element_type3A_92, %cond3A_93 : i32
      scf.if %cond3A_94 {
        %sub3A = arith.constant 2 : i32
        %sub3A_107 = arith.subi %add3A_83, %sub3A : i32
        %dma_wait3A_108 = arith.constant 0 : i32
        %dma_wait3A_109 = tpu.memref_slice %arg11[%sub3A_107, %dma_wait3A_108] : memref<125x80xi32, #tpu.memory_space<vmem>> -> memref<1x80xi32, #tpu.memory_space<vmem>>
        %dma_wait3A_110 = tpu.memref_squeeze %dma_wait3A_109 : memref<1x80xi32, #tpu.memory_space<vmem>> -> memref<80xi32, #tpu.memory_space<vmem>>
        %dma_wait3A_111 = arith.constant 0 : i32
        %dma_wait3A_112 = tpu.memref_slice %arg17[%dma_wait3A_111] : memref<10000xf32, #tpu.memory_space<vmem_shared>> -> memref<10000xf32, #tpu.memory_space<vmem_shared>>
        tpu.wait_indirect_dma semaphore(%arg21 : memref<!tpu.dma_semaphore, #tpu.memory_space<semaphore_mem>>) src(%arg14 : memref<80xf32, #tpu.memory_space<vmem>>) dst(%dma_wait3A_112 : memref<10000xf32, #tpu.memory_space<vmem_shared>>)
      } else {
      }
      %dma_start3A_95 = arith.constant 0 : i32
      %dma_start3A_96 = tpu.memref_slice %arg11[%add3A_83, %dma_start3A_95] : memref<125x80xi32, #tpu.memory_space<vmem>> -> memref<1x80xi32, #tpu.memory_space<vmem>>
      %dma_start3A_97 = tpu.memref_squeeze %dma_start3A_96 : memref<1x80xi32, #tpu.memory_space<vmem>> -> memref<80xi32, #tpu.memory_space<vmem>>
      %dma_start3A_98 = arith.constant 0 : i32
      %dma_start3A_99 = tpu.memref_slice %arg17[%dma_start3A_98] : memref<10000xf32, #tpu.memory_space<vmem_shared>> -> memref<10000xf32, #tpu.memory_space<vmem_shared>>
      tpu.enqueue_indirect_dma source(%arg14 : memref<80xf32, #tpu.memory_space<vmem>>) target(%dma_start3A_99 : memref<10000xf32, #tpu.memory_space<vmem_shared>>) offsets(%dma_start3A_97 : memref<80xi32, #tpu.memory_space<vmem>>) semaphore(%arg21 : memref<!tpu.dma_semaphore, #tpu.memory_space<semaphore_mem>>) {add = true}
      "tpu.region"() ({
        %run_scoped3A_107 = tpu.sem_alloc : memref<!tpu.dma_semaphore, #tpu.memory_space<semaphore_mem>>
        %dma_start3A_108 = arith.constant 0 : i32
        %dma_start3A_109 = tpu.memref_slice %arg11[%add3A_83, %dma_start3A_108] : memref<125x80xi32, #tpu.memory_space<vmem>> -> memref<1x80xi32, #tpu.memory_space<vmem>>
        %dma_start3A_110 = tpu.memref_squeeze %dma_start3A_109 : memref<1x80xi32, #tpu.memory_space<vmem>> -> memref<80xi32, #tpu.memory_space<vmem>>
        %dma_start3A_111 = arith.constant 0 : i32
        %dma_start3A_112 = arith.constant 0 : i32
        %dma_start3A_113 = tpu.memref_slice %arg16[%dma_start3A_111, %dma_start3A_112] : memref<10000x128xf32, #tpu.memory_space<vmem_shared>> -> memref<10000x128xf32, #tpu.memory_space<vmem_shared>>
        tpu.enqueue_indirect_dma source(%arg13 : memref<80x128xf32, #tpu.memory_space<vmem>>) target(%dma_start3A_113 : memref<10000x128xf32, #tpu.memory_space<vmem_shared>>) offsets(%dma_start3A_110 : memref<80xi32, #tpu.memory_space<vmem>>) semaphore(%run_scoped3A_107 : memref<!tpu.dma_semaphore, #tpu.memory_space<semaphore_mem>>) {add = true}
        %dma_wait3A_114 = arith.constant 0 : i32
        %dma_wait3A_115 = tpu.memref_slice %arg11[%add3A_83, %dma_wait3A_114] : memref<125x80xi32, #tpu.memory_space<vmem>> -> memref<1x80xi32, #tpu.memory_space<vmem>>
        %dma_wait3A_116 = tpu.memref_squeeze %dma_wait3A_115 : memref<1x80xi32, #tpu.memory_space<vmem>> -> memref<80xi32, #tpu.memory_space<vmem>>
        %dma_wait3A_117 = arith.constant 0 : i32
        %dma_wait3A_118 = arith.constant 0 : i32
        %dma_wait3A_119 = tpu.memref_slice %arg16[%dma_wait3A_117, %dma_wait3A_118] : memref<10000x128xf32, #tpu.memory_space<vmem_shared>> -> memref<10000x128xf32, #tpu.memory_space<vmem_shared>>
        tpu.wait_indirect_dma semaphore(%run_scoped3A_107 : memref<!tpu.dma_semaphore, #tpu.memory_space<semaphore_mem>>) src(%arg13 : memref<80x128xf32, #tpu.memory_space<vmem>>) dst(%dma_wait3A_119 : memref<10000x128xf32, #tpu.memory_space<vmem_shared>>)
        tpu.yield
      }) : () -> ()
      %add3A_100 = arith.constant 2 : i32
      %add3A_101 = arith.addi %add3A_83, %add3A_100 : i32
      %lt3A_102 = arith.constant 125 : i32
      %lt3A_103 = arith.cmpi slt, %add3A_101, %lt3A_102 : i32
      %convert_element_type3A_104 = arith.extui %lt3A_103 : i1 to i32
      %cond3A_105 = arith.constant 0 : i32
      %cond3A_106 = arith.cmpi ne, %convert_element_type3A_104, %cond3A_105 : i32
      scf.if %cond3A_106 {
        %add3A_107 = arith.constant 2 : i32
        %add3A_108 = arith.addi %add3A_83, %add3A_107 : i32
        %mul3A_109 = arith.constant 80 : i32
        %mul3A_110 = arith.muli %add3A_108, %mul3A_109 : i32
        %dma_start3A_111 = tpu.memref_slice %arg10[%mul3A_110] : memref<10000xi32, #tpu.memory_space<vmem>> -> memref<80xi32, #tpu.memory_space<vmem>>
        %dma_start3A_112 = arith.constant 0 : i32
        %dma_start3A_113 = arith.constant 0 : i32
        %dma_start3A_114 = tpu.memref_slice %arg2[%dma_start3A_112, %dma_start3A_113] : memref<10000x128xf32, #tpu.memory_space<hbm>> -> memref<10000x128xf32, #tpu.memory_space<hbm>>
        tpu.enqueue_indirect_dma source(%dma_start3A_114 : memref<10000x128xf32, #tpu.memory_space<hbm>>) target(%arg13 : memref<80x128xf32, #tpu.memory_space<vmem>>) offsets(%dma_start3A_111 : memref<80xi32, #tpu.memory_space<vmem>>) semaphore(%arg19 : memref<!tpu.dma_semaphore, #tpu.memory_space<semaphore_mem>>)
      } else {
      }
    }
    %scan3A_18 = arith.constant 62 : i32
    %dma_wait3A = arith.constant 9920 : i32
    %dma_wait3A_19 = tpu.memref_slice %arg10[%dma_wait3A] : memref<10000xi32, #tpu.memory_space<vmem>> -> memref<80xi32, #tpu.memory_space<vmem>>
    %dma_wait3A_20 = arith.constant 0 : i32
    %dma_wait3A_21 = arith.constant 0 : i32
    %dma_wait3A_22 = tpu.memref_slice %arg2[%dma_wait3A_20, %dma_wait3A_21] : memref<10000x128xf32, #tpu.memory_space<hbm>> -> memref<10000x128xf32, #tpu.memory_space<hbm>>
    tpu.wait_indirect_dma semaphore(%arg18 : memref<!tpu.dma_semaphore, #tpu.memory_space<semaphore_mem>>) src(%dma_wait3A_22 : memref<10000x128xf32, #tpu.memory_space<hbm>>) dst(%arg12 : memref<80x128xf32, #tpu.memory_space<vmem>>)
    %dma_start3A_23 = arith.constant 124 : i32
    %dma_start3A_24 = arith.constant 0 : i32
    %dma_start3A_25 = tpu.memref_slice %arg11[%dma_start3A_23, %dma_start3A_24] : memref<125x80xi32, #tpu.memory_space<vmem>> -> memref<1x80xi32, #tpu.memory_space<vmem>>
    %dma_start3A_26 = tpu.memref_squeeze %dma_start3A_25 : memref<1x80xi32, #tpu.memory_space<vmem>> -> memref<80xi32, #tpu.memory_space<vmem>>
    %dma_start3A_27 = arith.constant 0 : i32
    %dma_start3A_28 = tpu.memref_slice %arg17[%dma_start3A_27] : memref<10000xf32, #tpu.memory_space<vmem_shared>> -> memref<10000xf32, #tpu.memory_space<vmem_shared>>
    tpu.enqueue_indirect_dma source(%arg14 : memref<80xf32, #tpu.memory_space<vmem>>) target(%dma_start3A_28 : memref<10000xf32, #tpu.memory_space<vmem_shared>>) offsets(%dma_start3A_26 : memref<80xi32, #tpu.memory_space<vmem>>) semaphore(%arg20 : memref<!tpu.dma_semaphore, #tpu.memory_space<semaphore_mem>>) {add = true}
    %run_scoped3A = arith.constant 124 : i32
    "tpu.region"() ({
      %run_scoped3A_53 = tpu.sem_alloc : memref<!tpu.dma_semaphore, #tpu.memory_space<semaphore_mem>>
      %dma_start3A_54 = arith.constant 0 : i32
      %dma_start3A_55 = tpu.memref_slice %arg11[%run_scoped3A, %dma_start3A_54] : memref<125x80xi32, #tpu.memory_space<vmem>> -> memref<1x80xi32, #tpu.memory_space<vmem>>
      %dma_start3A_56 = tpu.memref_squeeze %dma_start3A_55 : memref<1x80xi32, #tpu.memory_space<vmem>> -> memref<80xi32, #tpu.memory_space<vmem>>
      %dma_start3A_57 = arith.constant 0 : i32
      %dma_start3A_58 = arith.constant 0 : i32
      %dma_start3A_59 = tpu.memref_slice %arg16[%dma_start3A_57, %dma_start3A_58] : memref<10000x128xf32, #tpu.memory_space<vmem_shared>> -> memref<10000x128xf32, #tpu.memory_space<vmem_shared>>
      tpu.enqueue_indirect_dma source(%arg12 : memref<80x128xf32, #tpu.memory_space<vmem>>) target(%dma_start3A_59 : memref<10000x128xf32, #tpu.memory_space<vmem_shared>>) offsets(%dma_start3A_56 : memref<80xi32, #tpu.memory_space<vmem>>) semaphore(%run_scoped3A_53 : memref<!tpu.dma_semaphore, #tpu.memory_space<semaphore_mem>>) {add = true}
      %dma_wait3A_60 = arith.constant 0 : i32
      %dma_wait3A_61 = tpu.memref_slice %arg11[%run_scoped3A, %dma_wait3A_60] : memref<125x80xi32, #tpu.memory_space<vmem>> -> memref<1x80xi32, #tpu.memory_space<vmem>>
      %dma_wait3A_62 = tpu.memref_squeeze %dma_wait3A_61 : memref<1x80xi32, #tpu.memory_space<vmem>> -> memref<80xi32, #tpu.memory_space<vmem>>
      %dma_wait3A_63 = arith.constant 0 : i32
      %dma_wait3A_64 = arith.constant 0 : i32
      %dma_wait3A_65 = tpu.memref_slice %arg16[%dma_wait3A_63, %dma_wait3A_64] : memref<10000x128xf32, #tpu.memory_space<vmem_shared>> -> memref<10000x128xf32, #tpu.memory_space<vmem_shared>>
      tpu.wait_indirect_dma semaphore(%run_scoped3A_53 : memref<!tpu.dma_semaphore, #tpu.memory_space<semaphore_mem>>) src(%arg12 : memref<80x128xf32, #tpu.memory_space<vmem>>) dst(%dma_wait3A_65 : memref<10000x128xf32, #tpu.memory_space<vmem_shared>>)
      tpu.yield
    }) : () -> ()
    %dma_wait3A_29 = arith.constant 122 : i32
    %dma_wait3A_30 = arith.constant 0 : i32
    %dma_wait3A_31 = tpu.memref_slice %arg11[%dma_wait3A_29, %dma_wait3A_30] : memref<125x80xi32, #tpu.memory_space<vmem>> -> memref<1x80xi32, #tpu.memory_space<vmem>>
    %dma_wait3A_32 = tpu.memref_squeeze %dma_wait3A_31 : memref<1x80xi32, #tpu.memory_space<vmem>> -> memref<80xi32, #tpu.memory_space<vmem>>
    %dma_wait3A_33 = arith.constant 0 : i32
    %dma_wait3A_34 = tpu.memref_slice %arg17[%dma_wait3A_33] : memref<10000xf32, #tpu.memory_space<vmem_shared>> -> memref<10000xf32, #tpu.memory_space<vmem_shared>>
    tpu.wait_indirect_dma semaphore(%arg20 : memref<!tpu.dma_semaphore, #tpu.memory_space<semaphore_mem>>) src(%arg14 : memref<80xf32, #tpu.memory_space<vmem>>) dst(%dma_wait3A_34 : memref<10000xf32, #tpu.memory_space<vmem_shared>>)
    %dma_wait3A_35 = arith.constant 124 : i32
    %dma_wait3A_36 = arith.constant 0 : i32
    %dma_wait3A_37 = tpu.memref_slice %arg11[%dma_wait3A_35, %dma_wait3A_36] : memref<125x80xi32, #tpu.memory_space<vmem>> -> memref<1x80xi32, #tpu.memory_space<vmem>>
    %dma_wait3A_38 = tpu.memref_squeeze %dma_wait3A_37 : memref<1x80xi32, #tpu.memory_space<vmem>> -> memref<80xi32, #tpu.memory_space<vmem>>
    %dma_wait3A_39 = arith.constant 0 : i32
    %dma_wait3A_40 = tpu.memref_slice %arg17[%dma_wait3A_39] : memref<10000xf32, #tpu.memory_space<vmem_shared>> -> memref<10000xf32, #tpu.memory_space<vmem_shared>>
    tpu.wait_indirect_dma semaphore(%arg20 : memref<!tpu.dma_semaphore, #tpu.memory_space<semaphore_mem>>) src(%arg14 : memref<80xf32, #tpu.memory_space<vmem>>) dst(%dma_wait3A_40 : memref<10000xf32, #tpu.memory_space<vmem_shared>>)
    %dma_wait3A_41 = arith.constant 123 : i32
    %dma_wait3A_42 = arith.constant 0 : i32
    %dma_wait3A_43 = tpu.memref_slice %arg11[%dma_wait3A_41, %dma_wait3A_42] : memref<125x80xi32, #tpu.memory_space<vmem>> -> memref<1x80xi32, #tpu.memory_space<vmem>>
    %dma_wait3A_44 = tpu.memref_squeeze %dma_wait3A_43 : memref<1x80xi32, #tpu.memory_space<vmem>> -> memref<80xi32, #tpu.memory_space<vmem>>
    %dma_wait3A_45 = arith.constant 0 : i32
    %dma_wait3A_46 = tpu.memref_slice %arg17[%dma_wait3A_45] : memref<10000xf32, #tpu.memory_space<vmem_shared>> -> memref<10000xf32, #tpu.memory_space<vmem_shared>>
    tpu.wait_indirect_dma semaphore(%arg21 : memref<!tpu.dma_semaphore, #tpu.memory_space<semaphore_mem>>) src(%arg14 : memref<80xf32, #tpu.memory_space<vmem>>) dst(%dma_wait3A_46 : memref<10000xf32, #tpu.memory_space<vmem_shared>>)
    %barrier3A_47 = arith.constant 0 : index
    tpu.barrier barrier_id(%barrier3A_47)
    %lt3A_48 = arith.constant 10 : i32
    %lt3A_49 = arith.cmpi slt, %arg1, %lt3A_48 : i32
    %convert_element_type3A_50 = arith.extui %lt3A_49 : i1 to i32
    %cond3A_51 = arith.constant 0 : i32
    %cond3A_52 = arith.cmpi ne, %convert_element_type3A_50, %cond3A_51 : i32
    scf.if %cond3A_52 {
      %mul3A_53 = arith.constant 1000 : i32
      %mul3A_54 = arith.muli %arg1, %mul3A_53 : i32
      %mul3A_55 = arith.constant 10000 : i32
      %mul3A_56 = arith.muli %arg0, %mul3A_55 : i32
      %mul3A_57 = arith.constant 1000 : i32
      %mul3A_58 = arith.muli %arg1, %mul3A_57 : i32
      %add3A_59 = arith.addi %mul3A_56, %mul3A_58 : i32
      "tpu.region"() ({
        %run_scoped3A_67 = tpu.sem_alloc : memref<!tpu.dma_semaphore, #tpu.memory_space<semaphore_mem>>
        %dma_start3A_68 = arith.constant 0 : i32
        %dma_start3A_69 = tpu.memref_slice %arg8[%add3A_59, %dma_start3A_68] : memref<20000x128xf32, #tpu.memory_space<hbm>> -> memref<1000x128xf32, #tpu.memory_space<hbm>>
        %dma_start3A_70 = arith.constant 0 : i32
        %dma_start3A_71 = tpu.memref_slice %arg16[%mul3A_54, %dma_start3A_70] : memref<10000x128xf32, #tpu.memory_space<vmem_shared>> -> memref<1000x128xf32, #tpu.memory_space<vmem_shared>>
        tpu.enqueue_dma source(%dma_start3A_71 : memref<1000x128xf32, #tpu.memory_space<vmem_shared>>) target(%dma_start3A_69 : memref<1000x128xf32, #tpu.memory_space<hbm>>) target_semaphore(%run_scoped3A_67 : memref<!tpu.dma_semaphore, #tpu.memory_space<semaphore_mem>>)
        %dma_wait3A_72 = arith.constant 0 : i32
        %dma_wait3A_73 = tpu.memref_slice %arg8[%add3A_59, %dma_wait3A_72] : memref<20000x128xf32, #tpu.memory_space<hbm>> -> memref<1000x128xf32, #tpu.memory_space<hbm>>
        %dma_wait3A_74 = arith.constant 0 : i32
        %dma_wait3A_75 = tpu.memref_slice %arg16[%mul3A_54, %dma_wait3A_74] : memref<10000x128xf32, #tpu.memory_space<vmem_shared>> -> memref<1000x128xf32, #tpu.memory_space<vmem_shared>>
        tpu.wait_dma2 semaphore(%run_scoped3A_67 : memref<!tpu.dma_semaphore, #tpu.memory_space<semaphore_mem>>) src(%dma_wait3A_75 : memref<1000x128xf32, #tpu.memory_space<vmem_shared>>) dst(%dma_wait3A_73 : memref<1000x128xf32, #tpu.memory_space<hbm>>)
        tpu.yield
      }) : () -> ()
      %mul3A_60 = arith.constant 1000 : i32
      %mul3A_61 = arith.muli %arg1, %mul3A_60 : i32
      "tpu.region"() ({
        %run_scoped3A_67 = tpu.sem_alloc : memref<!tpu.dma_semaphore, #tpu.memory_space<semaphore_mem>>
        %dma_start3A_68 = tpu.memref_slice %arg17[%mul3A_61] : memref<10000xf32, #tpu.memory_space<vmem_shared>> -> memref<1000xf32, #tpu.memory_space<vmem_shared>>
        %dma_start3A_69 = tpu.memref_slice %arg17[%mul3A_61] : memref<10000xf32, #tpu.memory_space<vmem_shared>> -> memref<1000xf32, #tpu.memory_space<vmem_shared>>
        tpu.enqueue_dma source(%dma_start3A_69 : memref<1000xf32, #tpu.memory_space<vmem_shared>>) target(%arg15 : memref<1000xf32, #tpu.memory_space<vmem>>) target_semaphore(%run_scoped3A_67 : memref<!tpu.dma_semaphore, #tpu.memory_space<semaphore_mem>>)
        %dma_wait3A_70 = tpu.memref_slice %arg17[%mul3A_61] : memref<10000xf32, #tpu.memory_space<vmem_shared>> -> memref<1000xf32, #tpu.memory_space<vmem_shared>>
        %dma_wait3A_71 = tpu.memref_slice %arg17[%mul3A_61] : memref<10000xf32, #tpu.memory_space<vmem_shared>> -> memref<1000xf32, #tpu.memory_space<vmem_shared>>
        tpu.wait_dma2 semaphore(%run_scoped3A_67 : memref<!tpu.dma_semaphore, #tpu.memory_space<semaphore_mem>>) src(%dma_wait3A_71 : memref<1000xf32, #tpu.memory_space<vmem_shared>>) dst(%arg15 : memref<1000xf32, #tpu.memory_space<vmem>>)
        tpu.yield
      }) : () -> ()
      %mul3A_62 = arith.constant 10000 : i32
      %mul3A_63 = arith.muli %arg0, %mul3A_62 : i32
      %mul3A_64 = arith.constant 1000 : i32
      %mul3A_65 = arith.muli %arg1, %mul3A_64 : i32
      %add3A_66 = arith.addi %mul3A_63, %mul3A_65 : i32
      "tpu.region"() ({
        %run_scoped3A_67 = tpu.sem_alloc : memref<!tpu.dma_semaphore, #tpu.memory_space<semaphore_mem>>
        %dma_start3A_68 = tpu.memref_slice %arg9[%add3A_66] : memref<20000xf32, #tpu.memory_space<hbm>> -> memref<1000xf32, #tpu.memory_space<hbm>>
        %dma_start3A_69 = tpu.memref_slice %arg9[%add3A_66] : memref<20000xf32, #tpu.memory_space<hbm>> -> memref<1000xf32, #tpu.memory_space<hbm>>
        tpu.enqueue_dma source(%arg15 : memref<1000xf32, #tpu.memory_space<vmem>>) target(%dma_start3A_69 : memref<1000xf32, #tpu.memory_space<hbm>>) target_semaphore(%run_scoped3A_67 : memref<!tpu.dma_semaphore, #tpu.memory_space<semaphore_mem>>)
        %dma_wait3A_70 = tpu.memref_slice %arg9[%add3A_66] : memref<20000xf32, #tpu.memory_space<hbm>> -> memref<1000xf32, #tpu.memory_space<hbm>>
        %dma_wait3A_71 = tpu.memref_slice %arg9[%add3A_66] : memref<20000xf32, #tpu.memory_space<hbm>> -> memref<1000xf32, #tpu.memory_space<hbm>>
        tpu.wait_dma2 semaphore(%run_scoped3A_67 : memref<!tpu.dma_semaphore, #tpu.memory_space<semaphore_mem>>) src(%arg15 : memref<1000xf32, #tpu.memory_space<vmem>>) dst(%dma_wait3A_71 : memref<1000xf32, #tpu.memory_space<hbm>>)
        tpu.yield
      }) : () -> ()
    } else {
    }
    return
  }
}

module attributes {stable_mosaic.version = 14 : i64} {
  func.func @_dense_body(%arg0: i32, %arg1: memref<2000x128xf32, #tpu.memory_space<vmem>>, %arg2: memref<2000x128xf32, #tpu.memory_space<vmem>>, %arg3: memref<2000x128xf32, #tpu.memory_space<vmem>>, %arg4: memref<2000x1xf32, #tpu.memory_space<vmem>>, %arg5: memref<2000x1xf32, #tpu.memory_space<vmem>>, %arg6: memref<128x128xf32, #tpu.memory_space<vmem>>, %arg7: memref<1x128xf32, #tpu.memory_space<vmem>>, %arg8: memref<1x128xf32, #tpu.memory_space<vmem>>, %arg9: memref<1x128xf32, #tpu.memory_space<vmem>>, %arg10: memref<128x256xf32, #tpu.memory_space<vmem>>, %arg11: memref<1x256xf32, #tpu.memory_space<vmem>>, %arg12: memref<256x128xf32, #tpu.memory_space<vmem>>, %arg13: memref<1x128xf32, #tpu.memory_space<vmem>>, %arg14: memref<1x128xf32, #tpu.memory_space<vmem>>, %arg15: memref<1x128xf32, #tpu.memory_space<vmem>>, %arg16: memref<2000x128xf32, #tpu.memory_space<vmem>>) attributes {dimension_semantics = [#tpu.dimension_semantics<arbitrary>], iteration_bounds = array<i64: 5>, scalar_prefetch = 0 : i64, scratch_operands = 0 : i64, tpu.core_type = #tpu.core_type<tc>, window_params = [{transform_indices = @transform_0, window_bounds = array<i64: 2000, 128>}, {transform_indices = @transform_1, window_bounds = array<i64: 2000, 128>}, {transform_indices = @transform_2, window_bounds = array<i64: 2000, 128>}, {transform_indices = @transform_3, window_bounds = array<i64: 2000, 1>}, {transform_indices = @transform_4, window_bounds = array<i64: 2000, 1>}, {pipeline_mode = #tpu.pipeline_mode<synchronous>, transform_indices = @transform_5, window_bounds = array<i64: 128, 128>}, {pipeline_mode = #tpu.pipeline_mode<synchronous>, transform_indices = @transform_6, window_bounds = array<i64: 1, 128>}, {pipeline_mode = #tpu.pipeline_mode<synchronous>, transform_indices = @transform_7, window_bounds = array<i64: 1, 128>}, {pipeline_mode = #tpu.pipeline_mode<synchronous>, transform_indices = @transform_8, window_bounds = array<i64: 1, 128>}, {pipeline_mode = #tpu.pipeline_mode<synchronous>, transform_indices = @transform_9, window_bounds = array<i64: 128, 256>}, {pipeline_mode = #tpu.pipeline_mode<synchronous>, transform_indices = @transform_10, window_bounds = array<i64: 1, 256>}, {pipeline_mode = #tpu.pipeline_mode<synchronous>, transform_indices = @transform_11, window_bounds = array<i64: 256, 128>}, {pipeline_mode = #tpu.pipeline_mode<synchronous>, transform_indices = @transform_12, window_bounds = array<i64: 1, 128>}, {pipeline_mode = #tpu.pipeline_mode<synchronous>, transform_indices = @transform_13, window_bounds = array<i64: 1, 128>}, {pipeline_mode = #tpu.pipeline_mode<synchronous>, transform_indices = @transform_14, window_bounds = array<i64: 1, 128>}, {transform_indices = @transform_15, window_bounds = array<i64: 2000, 128>}]} {
    %get3A = arith.constant 0 : index
    %get3A_0 = arith.constant 0 : index
    %get3A_1 = vector.load %arg4[%get3A, %get3A_0] : memref<2000x1xf32, #tpu.memory_space<vmem>>, vector<2000x1xf32>
    %get3A_2 = arith.constant 0 : index
    %get3A_3 = arith.constant 0 : index
    %get3A_4 = vector.load %arg5[%get3A_2, %get3A_3] : memref<2000x1xf32, #tpu.memory_space<vmem>>, vector<2000x1xf32>
    %add3A = arith.addf %get3A_1, %get3A_4 : vector<2000x1xf32>
    %add3A_5 = arith.constant 1.000000e+00 : f32
    %add3A_6 = vector.broadcast %add3A_5 : f32 to vector<2000x1xf32>
    %add3A_7 = arith.addf %add3A, %add3A_6 : vector<2000x1xf32>
    %div3A = arith.constant 1.000000e+00 : f32
    %div3A_8 = vector.broadcast %div3A : f32 to vector<2000x1xf32>
    %div3A_9 = arith.divf %div3A_8, %add3A_7 : vector<2000x1xf32>
    %get3A_10 = arith.constant 0 : index
    %get3A_11 = arith.constant 0 : index
    %get3A_12 = vector.load %arg2[%get3A_10, %get3A_11] : memref<2000x128xf32, #tpu.memory_space<vmem>>, vector<2000x128xf32>
    %get3A_13 = arith.constant 0 : index
    %get3A_14 = arith.constant 0 : index
    %get3A_15 = vector.load %arg3[%get3A_13, %get3A_14] : memref<2000x128xf32, #tpu.memory_space<vmem>>, vector<2000x128xf32>
    %add3A_16 = arith.addf %get3A_12, %get3A_15 : vector<2000x128xf32>
    %get3A_17 = arith.constant 0 : index
    %get3A_18 = arith.constant 0 : index
    %get3A_19 = vector.load %arg1[%get3A_17, %get3A_18] : memref<2000x128xf32, #tpu.memory_space<vmem>>, vector<2000x128xf32>
    %add3A_20 = arith.addf %add3A_16, %get3A_19 : vector<2000x128xf32>
    %mul3A = vector.broadcast %div3A_9 : vector<2000x1xf32> to vector<2000x128xf32>
    %mul3A_21 = arith.mulf %add3A_20, %mul3A : vector<2000x128xf32>
    %get3A_22 = arith.constant 0 : index
    %get3A_23 = arith.constant 0 : index
    %get3A_24 = vector.load %arg6[%get3A_22, %get3A_23] : memref<128x128xf32, #tpu.memory_space<vmem>>, vector<128x128xf32>
    %dot_general3A = arith.constant dense<0.000000e+00> : vector<2000x128xf32>
    %dot_general3A_25 = tpu.matmul %mul3A_21, %get3A_24, %dot_general3A {dimension_numbers = #tpu.dot_dimension_numbers<[1], [0], [0], [1], [0, 0, 1, 1], [], []>, transpose_lhs_hint = false} : vector<2000x128xf32>, vector<128x128xf32>, vector<2000x128xf32> -> vector<2000x128xf32>
    %get3A_26 = arith.constant 0 : index
    %get3A_27 = arith.constant 0 : index
    %get3A_28 = vector.load %arg7[%get3A_26, %get3A_27] : memref<1x128xf32, #tpu.memory_space<vmem>>, vector<1x128xf32>
    %add3A_29 = vector.broadcast %get3A_28 : vector<1x128xf32> to vector<2000x128xf32>
    %add3A_30 = arith.addf %dot_general3A_25, %add3A_29 : vector<2000x128xf32>
    %get3A_31 = arith.constant 0 : index
    %get3A_32 = arith.constant 0 : index
    %get3A_33 = vector.load %arg1[%get3A_31, %get3A_32] : memref<2000x128xf32, #tpu.memory_space<vmem>>, vector<2000x128xf32>
    %add3A_34 = arith.addf %get3A_33, %add3A_30 : vector<2000x128xf32>
    %get3A_35 = arith.constant 0 : index
    %get3A_36 = arith.constant 0 : index
    %get3A_37 = vector.load %arg8[%get3A_35, %get3A_36] : memref<1x128xf32, #tpu.memory_space<vmem>>, vector<1x128xf32>
    %get3A_38 = arith.constant 0 : index
    %get3A_39 = arith.constant 0 : index
    %get3A_40 = vector.load %arg9[%get3A_38, %get3A_39] : memref<1x128xf32, #tpu.memory_space<vmem>>, vector<1x128xf32>
    %reduce_sum3A = arith.constant dense<0.000000e+00> : vector<2000xf32>
    %reduce_sum3A_41 = vector.multi_reduction <add>, %add3A_34, %reduce_sum3A [1] : vector<2000x128xf32> to vector<2000xf32>
    %broadcast_in_dim3A = vector.shape_cast %reduce_sum3A_41 : vector<2000xf32> to vector<2000x1xf32>
    %div3A_42 = arith.constant 1.280000e+02 : f32
    %div3A_43 = vector.broadcast %div3A_42 : f32 to vector<2000x1xf32>
    %div3A_44 = arith.divf %broadcast_in_dim3A, %div3A_43 : vector<2000x1xf32>
    %sub3A = vector.broadcast %div3A_44 : vector<2000x1xf32> to vector<2000x128xf32>
    %sub3A_45 = arith.subf %add3A_34, %sub3A : vector<2000x128xf32>
    %mul3A_46 = arith.mulf %sub3A_45, %sub3A_45 : vector<2000x128xf32>
    %reduce_sum3A_47 = arith.constant dense<0.000000e+00> : vector<2000xf32>
    %reduce_sum3A_48 = vector.multi_reduction <add>, %mul3A_46, %reduce_sum3A_47 [1] : vector<2000x128xf32> to vector<2000xf32>
    %broadcast_in_dim3A_49 = vector.shape_cast %reduce_sum3A_48 : vector<2000xf32> to vector<2000x1xf32>
    %div3A_50 = arith.constant 1.280000e+02 : f32
    %div3A_51 = vector.broadcast %div3A_50 : f32 to vector<2000x1xf32>
    %div3A_52 = arith.divf %broadcast_in_dim3A_49, %div3A_51 : vector<2000x1xf32>
    %add3A_53 = arith.constant 9.99999974E-6 : f32
    %add3A_54 = vector.broadcast %add3A_53 : f32 to vector<2000x1xf32>
    %add3A_55 = arith.addf %div3A_52, %add3A_54 : vector<2000x1xf32>
    %rsqrt3A = math.rsqrt %add3A_55 : vector<2000x1xf32>
    %mul3A_56 = vector.broadcast %rsqrt3A : vector<2000x1xf32> to vector<2000x128xf32>
    %mul3A_57 = arith.mulf %sub3A_45, %mul3A_56 : vector<2000x128xf32>
    %mul3A_58 = vector.broadcast %get3A_37 : vector<1x128xf32> to vector<2000x128xf32>
    %mul3A_59 = arith.mulf %mul3A_57, %mul3A_58 : vector<2000x128xf32>
    %add3A_60 = vector.broadcast %get3A_40 : vector<1x128xf32> to vector<2000x128xf32>
    %add3A_61 = arith.addf %mul3A_59, %add3A_60 : vector<2000x128xf32>
    %get3A_62 = arith.constant 0 : index
    %get3A_63 = arith.constant 0 : index
    %get3A_64 = vector.load %arg10[%get3A_62, %get3A_63] : memref<128x256xf32, #tpu.memory_space<vmem>>, vector<128x256xf32>
    %dot_general3A_65 = arith.constant dense<0.000000e+00> : vector<2000x256xf32>
    %dot_general3A_66 = tpu.matmul %add3A_61, %get3A_64, %dot_general3A_65 {dimension_numbers = #tpu.dot_dimension_numbers<[1], [0], [0], [1], [0, 0, 1, 1], [], []>, transpose_lhs_hint = false} : vector<2000x128xf32>, vector<128x256xf32>, vector<2000x256xf32> -> vector<2000x256xf32>
    %get3A_67 = arith.constant 0 : index
    %get3A_68 = arith.constant 0 : index
    %get3A_69 = vector.load %arg11[%get3A_67, %get3A_68] : memref<1x256xf32, #tpu.memory_space<vmem>>, vector<1x256xf32>
    %add3A_70 = vector.broadcast %get3A_69 : vector<1x256xf32> to vector<2000x256xf32>
    %add3A_71 = arith.addf %dot_general3A_66, %add3A_70 : vector<2000x256xf32>
    %max3A = arith.constant 0.000000e+00 : f32
    %max3A_72 = vector.broadcast %max3A : f32 to vector<2000x256xf32>
    %max3A_73 = arith.maximumf %add3A_71, %max3A_72 : vector<2000x256xf32>
    %get3A_74 = arith.constant 0 : index
    %get3A_75 = arith.constant 0 : index
    %get3A_76 = vector.load %arg12[%get3A_74, %get3A_75] : memref<256x128xf32, #tpu.memory_space<vmem>>, vector<256x128xf32>
    %dot_general3A_77 = arith.constant dense<0.000000e+00> : vector<2000x128xf32>
    %dot_general3A_78 = tpu.matmul %max3A_73, %get3A_76, %dot_general3A_77 {dimension_numbers = #tpu.dot_dimension_numbers<[1], [0], [0], [1], [0, 0, 1, 1], [], []>, transpose_lhs_hint = false} : vector<2000x256xf32>, vector<256x128xf32>, vector<2000x128xf32> -> vector<2000x128xf32>
    %get3A_79 = arith.constant 0 : index
    %get3A_80 = arith.constant 0 : index
    %get3A_81 = vector.load %arg13[%get3A_79, %get3A_80] : memref<1x128xf32, #tpu.memory_space<vmem>>, vector<1x128xf32>
    %add3A_82 = vector.broadcast %get3A_81 : vector<1x128xf32> to vector<2000x128xf32>
    %add3A_83 = arith.addf %dot_general3A_78, %add3A_82 : vector<2000x128xf32>
    %add3A_84 = arith.addf %add3A_61, %add3A_83 : vector<2000x128xf32>
    %get3A_85 = arith.constant 0 : index
    %get3A_86 = arith.constant 0 : index
    %get3A_87 = vector.load %arg14[%get3A_85, %get3A_86] : memref<1x128xf32, #tpu.memory_space<vmem>>, vector<1x128xf32>
    %get3A_88 = arith.constant 0 : index
    %get3A_89 = arith.constant 0 : index
    %get3A_90 = vector.load %arg15[%get3A_88, %get3A_89] : memref<1x128xf32, #tpu.memory_space<vmem>>, vector<1x128xf32>
    %reduce_sum3A_91 = arith.constant dense<0.000000e+00> : vector<2000xf32>
    %reduce_sum3A_92 = vector.multi_reduction <add>, %add3A_84, %reduce_sum3A_91 [1] : vector<2000x128xf32> to vector<2000xf32>
    %broadcast_in_dim3A_93 = vector.shape_cast %reduce_sum3A_92 : vector<2000xf32> to vector<2000x1xf32>
    %div3A_94 = arith.constant 1.280000e+02 : f32
    %div3A_95 = vector.broadcast %div3A_94 : f32 to vector<2000x1xf32>
    %div3A_96 = arith.divf %broadcast_in_dim3A_93, %div3A_95 : vector<2000x1xf32>
    %sub3A_97 = vector.broadcast %div3A_96 : vector<2000x1xf32> to vector<2000x128xf32>
    %sub3A_98 = arith.subf %add3A_84, %sub3A_97 : vector<2000x128xf32>
    %mul3A_99 = arith.mulf %sub3A_98, %sub3A_98 : vector<2000x128xf32>
    %reduce_sum3A_100 = arith.constant dense<0.000000e+00> : vector<2000xf32>
    %reduce_sum3A_101 = vector.multi_reduction <add>, %mul3A_99, %reduce_sum3A_100 [1] : vector<2000x128xf32> to vector<2000xf32>
    %broadcast_in_dim3A_102 = vector.shape_cast %reduce_sum3A_101 : vector<2000xf32> to vector<2000x1xf32>
    %div3A_103 = arith.constant 1.280000e+02 : f32
    %div3A_104 = vector.broadcast %div3A_103 : f32 to vector<2000x1xf32>
    %div3A_105 = arith.divf %broadcast_in_dim3A_102, %div3A_104 : vector<2000x1xf32>
    %add3A_106 = arith.constant 9.99999974E-6 : f32
    %add3A_107 = vector.broadcast %add3A_106 : f32 to vector<2000x1xf32>
    %add3A_108 = arith.addf %div3A_105, %add3A_107 : vector<2000x1xf32>
    %rsqrt3A_109 = math.rsqrt %add3A_108 : vector<2000x1xf32>
    %mul3A_110 = vector.broadcast %rsqrt3A_109 : vector<2000x1xf32> to vector<2000x128xf32>
    %mul3A_111 = arith.mulf %sub3A_98, %mul3A_110 : vector<2000x128xf32>
    %mul3A_112 = vector.broadcast %get3A_87 : vector<1x128xf32> to vector<2000x128xf32>
    %mul3A_113 = arith.mulf %mul3A_111, %mul3A_112 : vector<2000x128xf32>
    %add3A_114 = vector.broadcast %get3A_90 : vector<1x128xf32> to vector<2000x128xf32>
    %add3A_115 = arith.addf %mul3A_113, %add3A_114 : vector<2000x128xf32>
    %swap3A = arith.constant 0 : index
    %swap3A_116 = arith.constant 0 : index
    %swap3A_117 = vector.load %arg16[%swap3A, %swap3A_116] : memref<2000x128xf32, #tpu.memory_space<vmem>>, vector<2000x128xf32>
    tpu.vector_store %arg16[%swap3A, %swap3A_116], %add3A_115 {strides = array<i32>} : memref<2000x128xf32, #tpu.memory_space<vmem>>, vector<2000x128xf32>,
    return
  }
  func.func @transform_0(%arg0: i32) -> (i32, i32) {
    %c0_i32 = arith.constant 0 : i32
    %c0_i32_0 = arith.constant 0 : i32
    return %arg0, %c0_i32 : i32, i32
  }
  func.func @transform_1(%arg0: i32) -> (i32, i32) {
    %c0_i32 = arith.constant 0 : i32
    %c0_i32_0 = arith.constant 0 : i32
    return %arg0, %c0_i32 : i32, i32
  }
  func.func @transform_2(%arg0: i32) -> (i32, i32) {
    %add3A = arith.constant 5 : i32
    %add3A_0 = arith.addi %arg0, %add3A : i32
    %c0_i32 = arith.constant 0 : i32
    %c0_i32_1 = arith.constant 0 : i32
    return %add3A_0, %c0_i32 : i32, i32
  }
  func.func @transform_3(%arg0: i32) -> (i32, i32) {
    %c0_i32 = arith.constant 0 : i32
    %c0_i32_0 = arith.constant 0 : i32
    return %arg0, %c0_i32 : i32, i32
  }
  func.func @transform_4(%arg0: i32) -> (i32, i32) {
    %add3A = arith.constant 5 : i32
    %add3A_0 = arith.addi %arg0, %add3A : i32
    %c0_i32 = arith.constant 0 : i32
    %c0_i32_1 = arith.constant 0 : i32
    return %add3A_0, %c0_i32 : i32, i32
  }
  func.func @transform_5(%arg0: i32) -> (i32, i32) {
    %c0_i32 = arith.constant 0 : i32
    %c0_i32_0 = arith.constant 0 : i32
    %c0_i32_1 = arith.constant 0 : i32
    return %c0_i32, %c0_i32_0 : i32, i32
  }
  func.func @transform_6(%arg0: i32) -> (i32, i32) {
    %c0_i32 = arith.constant 0 : i32
    %c0_i32_0 = arith.constant 0 : i32
    %c0_i32_1 = arith.constant 0 : i32
    return %c0_i32, %c0_i32_0 : i32, i32
  }
  func.func @transform_7(%arg0: i32) -> (i32, i32) {
    %c0_i32 = arith.constant 0 : i32
    %c0_i32_0 = arith.constant 0 : i32
    %c0_i32_1 = arith.constant 0 : i32
    return %c0_i32, %c0_i32_0 : i32, i32
  }
  func.func @transform_8(%arg0: i32) -> (i32, i32) {
    %c0_i32 = arith.constant 0 : i32
    %c0_i32_0 = arith.constant 0 : i32
    %c0_i32_1 = arith.constant 0 : i32
    return %c0_i32, %c0_i32_0 : i32, i32
  }
  func.func @transform_9(%arg0: i32) -> (i32, i32) {
    %c0_i32 = arith.constant 0 : i32
    %c0_i32_0 = arith.constant 0 : i32
    %c0_i32_1 = arith.constant 0 : i32
    return %c0_i32, %c0_i32_0 : i32, i32
  }
  func.func @transform_10(%arg0: i32) -> (i32, i32) {
    %c0_i32 = arith.constant 0 : i32
    %c0_i32_0 = arith.constant 0 : i32
    %c0_i32_1 = arith.constant 0 : i32
    return %c0_i32, %c0_i32_0 : i32, i32
  }
  func.func @transform_11(%arg0: i32) -> (i32, i32) {
    %c0_i32 = arith.constant 0 : i32
    %c0_i32_0 = arith.constant 0 : i32
    %c0_i32_1 = arith.constant 0 : i32
    return %c0_i32, %c0_i32_0 : i32, i32
  }
  func.func @transform_12(%arg0: i32) -> (i32, i32) {
    %c0_i32 = arith.constant 0 : i32
    %c0_i32_0 = arith.constant 0 : i32
    %c0_i32_1 = arith.constant 0 : i32
    return %c0_i32, %c0_i32_0 : i32, i32
  }
  func.func @transform_13(%arg0: i32) -> (i32, i32) {
    %c0_i32 = arith.constant 0 : i32
    %c0_i32_0 = arith.constant 0 : i32
    %c0_i32_1 = arith.constant 0 : i32
    return %c0_i32, %c0_i32_0 : i32, i32
  }
  func.func @transform_14(%arg0: i32) -> (i32, i32) {
    %c0_i32 = arith.constant 0 : i32
    %c0_i32_0 = arith.constant 0 : i32
    %c0_i32_1 = arith.constant 0 : i32
    return %c0_i32, %c0_i32_0 : i32, i32
  }
  func.func @transform_15(%arg0: i32) -> (i32, i32) {
    %c0_i32 = arith.constant 0 : i32
    %c0_i32_0 = arith.constant 0 : i32
    return %arg0, %c0_i32 : i32, i32
  }
}

module attributes {stable_mosaic.version = 14 : i64} {
  func.func @_dense_body(%arg0: i32, %arg1: memref<2000x128xf32, #tpu.memory_space<vmem>>, %arg2: memref<2000x128xf32, #tpu.memory_space<vmem>>, %arg3: memref<2000x128xf32, #tpu.memory_space<vmem>>, %arg4: memref<2000x1xf32, #tpu.memory_space<vmem>>, %arg5: memref<2000x1xf32, #tpu.memory_space<vmem>>, %arg6: memref<128x128xf32, #tpu.memory_space<vmem>>, %arg7: memref<1x128xf32, #tpu.memory_space<vmem>>, %arg8: memref<1x128xf32, #tpu.memory_space<vmem>>, %arg9: memref<1x128xf32, #tpu.memory_space<vmem>>, %arg10: memref<128x256xf32, #tpu.memory_space<vmem>>, %arg11: memref<1x256xf32, #tpu.memory_space<vmem>>, %arg12: memref<256x128xf32, #tpu.memory_space<vmem>>, %arg13: memref<1x128xf32, #tpu.memory_space<vmem>>, %arg14: memref<1x128xf32, #tpu.memory_space<vmem>>, %arg15: memref<1x128xf32, #tpu.memory_space<vmem>>, %arg16: memref<2000x128xf32, #tpu.memory_space<vmem>>) attributes {dimension_semantics = [#tpu.dimension_semantics<arbitrary>], iteration_bounds = array<i64: 5>, scalar_prefetch = 0 : i64, scratch_operands = 0 : i64, tpu.core_type = #tpu.core_type<tc>, window_params = [{transform_indices = @transform_0, window_bounds = array<i64: 2000, 128>}, {transform_indices = @transform_1, window_bounds = array<i64: 2000, 128>}, {transform_indices = @transform_2, window_bounds = array<i64: 2000, 128>}, {transform_indices = @transform_3, window_bounds = array<i64: 2000, 1>}, {transform_indices = @transform_4, window_bounds = array<i64: 2000, 1>}, {pipeline_mode = #tpu.pipeline_mode<synchronous>, transform_indices = @transform_5, window_bounds = array<i64: 128, 128>}, {pipeline_mode = #tpu.pipeline_mode<synchronous>, transform_indices = @transform_6, window_bounds = array<i64: 1, 128>}, {pipeline_mode = #tpu.pipeline_mode<synchronous>, transform_indices = @transform_7, window_bounds = array<i64: 1, 128>}, {pipeline_mode = #tpu.pipeline_mode<synchronous>, transform_indices = @transform_8, window_bounds = array<i64: 1, 128>}, {pipeline_mode = #tpu.pipeline_mode<synchronous>, transform_indices = @transform_9, window_bounds = array<i64: 128, 256>}, {pipeline_mode = #tpu.pipeline_mode<synchronous>, transform_indices = @transform_10, window_bounds = array<i64: 1, 256>}, {pipeline_mode = #tpu.pipeline_mode<synchronous>, transform_indices = @transform_11, window_bounds = array<i64: 256, 128>}, {pipeline_mode = #tpu.pipeline_mode<synchronous>, transform_indices = @transform_12, window_bounds = array<i64: 1, 128>}, {pipeline_mode = #tpu.pipeline_mode<synchronous>, transform_indices = @transform_13, window_bounds = array<i64: 1, 128>}, {pipeline_mode = #tpu.pipeline_mode<synchronous>, transform_indices = @transform_14, window_bounds = array<i64: 1, 128>}, {transform_indices = @transform_15, window_bounds = array<i64: 2000, 128>}]} {
    %get3A = arith.constant 0 : index
    %get3A_0 = arith.constant 0 : index
    %get3A_1 = vector.load %arg4[%get3A, %get3A_0] : memref<2000x1xf32, #tpu.memory_space<vmem>>, vector<2000x1xf32>
    %get3A_2 = arith.constant 0 : index
    %get3A_3 = arith.constant 0 : index
    %get3A_4 = vector.load %arg5[%get3A_2, %get3A_3] : memref<2000x1xf32, #tpu.memory_space<vmem>>, vector<2000x1xf32>
    %add3A = arith.addf %get3A_1, %get3A_4 : vector<2000x1xf32>
    %add3A_5 = arith.constant 1.000000e+00 : f32
    %add3A_6 = vector.broadcast %add3A_5 : f32 to vector<2000x1xf32>
    %add3A_7 = arith.addf %add3A, %add3A_6 : vector<2000x1xf32>
    %div3A = arith.constant 1.000000e+00 : f32
    %div3A_8 = vector.broadcast %div3A : f32 to vector<2000x1xf32>
    %div3A_9 = arith.divf %div3A_8, %add3A_7 : vector<2000x1xf32>
    %get3A_10 = arith.constant 0 : index
    %get3A_11 = arith.constant 0 : index
    %get3A_12 = vector.load %arg2[%get3A_10, %get3A_11] : memref<2000x128xf32, #tpu.memory_space<vmem>>, vector<2000x128xf32>
    %get3A_13 = arith.constant 0 : index
    %get3A_14 = arith.constant 0 : index
    %get3A_15 = vector.load %arg3[%get3A_13, %get3A_14] : memref<2000x128xf32, #tpu.memory_space<vmem>>, vector<2000x128xf32>
    %add3A_16 = arith.addf %get3A_12, %get3A_15 : vector<2000x128xf32>
    %get3A_17 = arith.constant 0 : index
    %get3A_18 = arith.constant 0 : index
    %get3A_19 = vector.load %arg1[%get3A_17, %get3A_18] : memref<2000x128xf32, #tpu.memory_space<vmem>>, vector<2000x128xf32>
    %add3A_20 = arith.addf %add3A_16, %get3A_19 : vector<2000x128xf32>
    %mul3A = vector.broadcast %div3A_9 : vector<2000x1xf32> to vector<2000x128xf32>
    %mul3A_21 = arith.mulf %add3A_20, %mul3A : vector<2000x128xf32>
    %get3A_22 = arith.constant 0 : index
    %get3A_23 = arith.constant 0 : index
    %get3A_24 = vector.load %arg6[%get3A_22, %get3A_23] : memref<128x128xf32, #tpu.memory_space<vmem>>, vector<128x128xf32>
    %dot_general3A = arith.constant dense<0.000000e+00> : vector<2000x128xf32>
    %dot_general3A_25 = tpu.matmul %mul3A_21, %get3A_24, %dot_general3A {dimension_numbers = #tpu.dot_dimension_numbers<[1], [0], [0], [1], [0, 0, 1, 1], [], []>, transpose_lhs_hint = false} : vector<2000x128xf32>, vector<128x128xf32>, vector<2000x128xf32> -> vector<2000x128xf32>
    %get3A_26 = arith.constant 0 : index
    %get3A_27 = arith.constant 0 : index
    %get3A_28 = vector.load %arg7[%get3A_26, %get3A_27] : memref<1x128xf32, #tpu.memory_space<vmem>>, vector<1x128xf32>
    %add3A_29 = vector.broadcast %get3A_28 : vector<1x128xf32> to vector<2000x128xf32>
    %add3A_30 = arith.addf %dot_general3A_25, %add3A_29 : vector<2000x128xf32>
    %get3A_31 = arith.constant 0 : index
    %get3A_32 = arith.constant 0 : index
    %get3A_33 = vector.load %arg1[%get3A_31, %get3A_32] : memref<2000x128xf32, #tpu.memory_space<vmem>>, vector<2000x128xf32>
    %add3A_34 = arith.addf %get3A_33, %add3A_30 : vector<2000x128xf32>
    %get3A_35 = arith.constant 0 : index
    %get3A_36 = arith.constant 0 : index
    %get3A_37 = vector.load %arg8[%get3A_35, %get3A_36] : memref<1x128xf32, #tpu.memory_space<vmem>>, vector<1x128xf32>
    %get3A_38 = arith.constant 0 : index
    %get3A_39 = arith.constant 0 : index
    %get3A_40 = vector.load %arg9[%get3A_38, %get3A_39] : memref<1x128xf32, #tpu.memory_space<vmem>>, vector<1x128xf32>
    %reduce_sum3A = arith.constant dense<0.000000e+00> : vector<2000xf32>
    %reduce_sum3A_41 = vector.multi_reduction <add>, %add3A_34, %reduce_sum3A [1] : vector<2000x128xf32> to vector<2000xf32>
    %broadcast_in_dim3A = vector.shape_cast %reduce_sum3A_41 : vector<2000xf32> to vector<2000x1xf32>
    %div3A_42 = arith.constant 1.280000e+02 : f32
    %div3A_43 = vector.broadcast %div3A_42 : f32 to vector<2000x1xf32>
    %div3A_44 = arith.divf %broadcast_in_dim3A, %div3A_43 : vector<2000x1xf32>
    %sub3A = vector.broadcast %div3A_44 : vector<2000x1xf32> to vector<2000x128xf32>
    %sub3A_45 = arith.subf %add3A_34, %sub3A : vector<2000x128xf32>
    %mul3A_46 = arith.mulf %sub3A_45, %sub3A_45 : vector<2000x128xf32>
    %reduce_sum3A_47 = arith.constant dense<0.000000e+00> : vector<2000xf32>
    %reduce_sum3A_48 = vector.multi_reduction <add>, %mul3A_46, %reduce_sum3A_47 [1] : vector<2000x128xf32> to vector<2000xf32>
    %broadcast_in_dim3A_49 = vector.shape_cast %reduce_sum3A_48 : vector<2000xf32> to vector<2000x1xf32>
    %div3A_50 = arith.constant 1.280000e+02 : f32
    %div3A_51 = vector.broadcast %div3A_50 : f32 to vector<2000x1xf32>
    %div3A_52 = arith.divf %broadcast_in_dim3A_49, %div3A_51 : vector<2000x1xf32>
    %add3A_53 = arith.constant 9.99999974E-6 : f32
    %add3A_54 = vector.broadcast %add3A_53 : f32 to vector<2000x1xf32>
    %add3A_55 = arith.addf %div3A_52, %add3A_54 : vector<2000x1xf32>
    %rsqrt3A = math.rsqrt %add3A_55 : vector<2000x1xf32>
    %mul3A_56 = vector.broadcast %rsqrt3A : vector<2000x1xf32> to vector<2000x128xf32>
    %mul3A_57 = arith.mulf %sub3A_45, %mul3A_56 : vector<2000x128xf32>
    %mul3A_58 = vector.broadcast %get3A_37 : vector<1x128xf32> to vector<2000x128xf32>
    %mul3A_59 = arith.mulf %mul3A_57, %mul3A_58 : vector<2000x128xf32>
    %add3A_60 = vector.broadcast %get3A_40 : vector<1x128xf32> to vector<2000x128xf32>
    %add3A_61 = arith.addf %mul3A_59, %add3A_60 : vector<2000x128xf32>
    %get3A_62 = arith.constant 0 : index
    %get3A_63 = arith.constant 0 : index
    %get3A_64 = vector.load %arg10[%get3A_62, %get3A_63] : memref<128x256xf32, #tpu.memory_space<vmem>>, vector<128x256xf32>
    %dot_general3A_65 = arith.constant dense<0.000000e+00> : vector<2000x256xf32>
    %dot_general3A_66 = tpu.matmul %add3A_61, %get3A_64, %dot_general3A_65 {dimension_numbers = #tpu.dot_dimension_numbers<[1], [0], [0], [1], [0, 0, 1, 1], [], []>, transpose_lhs_hint = false} : vector<2000x128xf32>, vector<128x256xf32>, vector<2000x256xf32> -> vector<2000x256xf32>
    %get3A_67 = arith.constant 0 : index
    %get3A_68 = arith.constant 0 : index
    %get3A_69 = vector.load %arg11[%get3A_67, %get3A_68] : memref<1x256xf32, #tpu.memory_space<vmem>>, vector<1x256xf32>
    %add3A_70 = vector.broadcast %get3A_69 : vector<1x256xf32> to vector<2000x256xf32>
    %add3A_71 = arith.addf %dot_general3A_66, %add3A_70 : vector<2000x256xf32>
    %max3A = arith.constant 0.000000e+00 : f32
    %max3A_72 = vector.broadcast %max3A : f32 to vector<2000x256xf32>
    %max3A_73 = arith.maximumf %add3A_71, %max3A_72 : vector<2000x256xf32>
    %get3A_74 = arith.constant 0 : index
    %get3A_75 = arith.constant 0 : index
    %get3A_76 = vector.load %arg12[%get3A_74, %get3A_75] : memref<256x128xf32, #tpu.memory_space<vmem>>, vector<256x128xf32>
    %dot_general3A_77 = arith.constant dense<0.000000e+00> : vector<2000x128xf32>
    %dot_general3A_78 = tpu.matmul %max3A_73, %get3A_76, %dot_general3A_77 {dimension_numbers = #tpu.dot_dimension_numbers<[1], [0], [0], [1], [0, 0, 1, 1], [], []>, transpose_lhs_hint = false} : vector<2000x256xf32>, vector<256x128xf32>, vector<2000x128xf32> -> vector<2000x128xf32>
    %get3A_79 = arith.constant 0 : index
    %get3A_80 = arith.constant 0 : index
    %get3A_81 = vector.load %arg13[%get3A_79, %get3A_80] : memref<1x128xf32, #tpu.memory_space<vmem>>, vector<1x128xf32>
    %add3A_82 = vector.broadcast %get3A_81 : vector<1x128xf32> to vector<2000x128xf32>
    %add3A_83 = arith.addf %dot_general3A_78, %add3A_82 : vector<2000x128xf32>
    %add3A_84 = arith.addf %add3A_61, %add3A_83 : vector<2000x128xf32>
    %get3A_85 = arith.constant 0 : index
    %get3A_86 = arith.constant 0 : index
    %get3A_87 = vector.load %arg14[%get3A_85, %get3A_86] : memref<1x128xf32, #tpu.memory_space<vmem>>, vector<1x128xf32>
    %get3A_88 = arith.constant 0 : index
    %get3A_89 = arith.constant 0 : index
    %get3A_90 = vector.load %arg15[%get3A_88, %get3A_89] : memref<1x128xf32, #tpu.memory_space<vmem>>, vector<1x128xf32>
    %reduce_sum3A_91 = arith.constant dense<0.000000e+00> : vector<2000xf32>
    %reduce_sum3A_92 = vector.multi_reduction <add>, %add3A_84, %reduce_sum3A_91 [1] : vector<2000x128xf32> to vector<2000xf32>
    %broadcast_in_dim3A_93 = vector.shape_cast %reduce_sum3A_92 : vector<2000xf32> to vector<2000x1xf32>
    %div3A_94 = arith.constant 1.280000e+02 : f32
    %div3A_95 = vector.broadcast %div3A_94 : f32 to vector<2000x1xf32>
    %div3A_96 = arith.divf %broadcast_in_dim3A_93, %div3A_95 : vector<2000x1xf32>
    %sub3A_97 = vector.broadcast %div3A_96 : vector<2000x1xf32> to vector<2000x128xf32>
    %sub3A_98 = arith.subf %add3A_84, %sub3A_97 : vector<2000x128xf32>
    %mul3A_99 = arith.mulf %sub3A_98, %sub3A_98 : vector<2000x128xf32>
    %reduce_sum3A_100 = arith.constant dense<0.000000e+00> : vector<2000xf32>
    %reduce_sum3A_101 = vector.multi_reduction <add>, %mul3A_99, %reduce_sum3A_100 [1] : vector<2000x128xf32> to vector<2000xf32>
    %broadcast_in_dim3A_102 = vector.shape_cast %reduce_sum3A_101 : vector<2000xf32> to vector<2000x1xf32>
    %div3A_103 = arith.constant 1.280000e+02 : f32
    %div3A_104 = vector.broadcast %div3A_103 : f32 to vector<2000x1xf32>
    %div3A_105 = arith.divf %broadcast_in_dim3A_102, %div3A_104 : vector<2000x1xf32>
    %add3A_106 = arith.constant 9.99999974E-6 : f32
    %add3A_107 = vector.broadcast %add3A_106 : f32 to vector<2000x1xf32>
    %add3A_108 = arith.addf %div3A_105, %add3A_107 : vector<2000x1xf32>
    %rsqrt3A_109 = math.rsqrt %add3A_108 : vector<2000x1xf32>
    %mul3A_110 = vector.broadcast %rsqrt3A_109 : vector<2000x1xf32> to vector<2000x128xf32>
    %mul3A_111 = arith.mulf %sub3A_98, %mul3A_110 : vector<2000x128xf32>
    %mul3A_112 = vector.broadcast %get3A_87 : vector<1x128xf32> to vector<2000x128xf32>
    %mul3A_113 = arith.mulf %mul3A_111, %mul3A_112 : vector<2000x128xf32>
    %add3A_114 = vector.broadcast %get3A_90 : vector<1x128xf32> to vector<2000x128xf32>
    %add3A_115 = arith.addf %mul3A_113, %add3A_114 : vector<2000x128xf32>
    %swap3A = arith.constant 0 : index
    %swap3A_116 = arith.constant 0 : index
    %swap3A_117 = vector.load %arg16[%swap3A, %swap3A_116] : memref<2000x128xf32, #tpu.memory_space<vmem>>, vector<2000x128xf32>
    tpu.vector_store %arg16[%swap3A, %swap3A_116], %add3A_115 {strides = array<i32>} : memref<2000x128xf32, #tpu.memory_space<vmem>>, vector<2000x128xf32>,
    return
  }
  func.func @transform_0(%arg0: i32) -> (i32, i32) {
    %c0_i32 = arith.constant 0 : i32
    %c0_i32_0 = arith.constant 0 : i32
    return %arg0, %c0_i32 : i32, i32
  }
  func.func @transform_1(%arg0: i32) -> (i32, i32) {
    %c0_i32 = arith.constant 0 : i32
    %c0_i32_0 = arith.constant 0 : i32
    return %arg0, %c0_i32 : i32, i32
  }
  func.func @transform_2(%arg0: i32) -> (i32, i32) {
    %add3A = arith.constant 5 : i32
    %add3A_0 = arith.addi %arg0, %add3A : i32
    %c0_i32 = arith.constant 0 : i32
    %c0_i32_1 = arith.constant 0 : i32
    return %add3A_0, %c0_i32 : i32, i32
  }
  func.func @transform_3(%arg0: i32) -> (i32, i32) {
    %c0_i32 = arith.constant 0 : i32
    %c0_i32_0 = arith.constant 0 : i32
    return %arg0, %c0_i32 : i32, i32
  }
  func.func @transform_4(%arg0: i32) -> (i32, i32) {
    %add3A = arith.constant 5 : i32
    %add3A_0 = arith.addi %arg0, %add3A : i32
    %c0_i32 = arith.constant 0 : i32
    %c0_i32_1 = arith.constant 0 : i32
    return %add3A_0, %c0_i32 : i32, i32
  }
  func.func @transform_5(%arg0: i32) -> (i32, i32) {
    %c0_i32 = arith.constant 0 : i32
    %c0_i32_0 = arith.constant 0 : i32
    %c0_i32_1 = arith.constant 0 : i32
    return %c0_i32, %c0_i32_0 : i32, i32
  }
  func.func @transform_6(%arg0: i32) -> (i32, i32) {
    %c0_i32 = arith.constant 0 : i32
    %c0_i32_0 = arith.constant 0 : i32
    %c0_i32_1 = arith.constant 0 : i32
    return %c0_i32, %c0_i32_0 : i32, i32
  }
  func.func @transform_7(%arg0: i32) -> (i32, i32) {
    %c0_i32 = arith.constant 0 : i32
    %c0_i32_0 = arith.constant 0 : i32
    %c0_i32_1 = arith.constant 0 : i32
    return %c0_i32, %c0_i32_0 : i32, i32
  }
  func.func @transform_8(%arg0: i32) -> (i32, i32) {
    %c0_i32 = arith.constant 0 : i32
    %c0_i32_0 = arith.constant 0 : i32
    %c0_i32_1 = arith.constant 0 : i32
    return %c0_i32, %c0_i32_0 : i32, i32
  }
  func.func @transform_9(%arg0: i32) -> (i32, i32) {
    %c0_i32 = arith.constant 0 : i32
    %c0_i32_0 = arith.constant 0 : i32
    %c0_i32_1 = arith.constant 0 : i32
    return %c0_i32, %c0_i32_0 : i32, i32
  }
  func.func @transform_10(%arg0: i32) -> (i32, i32) {
    %c0_i32 = arith.constant 0 : i32
    %c0_i32_0 = arith.constant 0 : i32
    %c0_i32_1 = arith.constant 0 : i32
    return %c0_i32, %c0_i32_0 : i32, i32
  }
  func.func @transform_11(%arg0: i32) -> (i32, i32) {
    %c0_i32 = arith.constant 0 : i32
    %c0_i32_0 = arith.constant 0 : i32
    %c0_i32_1 = arith.constant 0 : i32
    return %c0_i32, %c0_i32_0 : i32, i32
  }
  func.func @transform_12(%arg0: i32) -> (i32, i32) {
    %c0_i32 = arith.constant 0 : i32
    %c0_i32_0 = arith.constant 0 : i32
    %c0_i32_1 = arith.constant 0 : i32
    return %c0_i32, %c0_i32_0 : i32, i32
  }
  func.func @transform_13(%arg0: i32) -> (i32, i32) {
    %c0_i32 = arith.constant 0 : i32
    %c0_i32_0 = arith.constant 0 : i32
    %c0_i32_1 = arith.constant 0 : i32
    return %c0_i32, %c0_i32_0 : i32, i32
  }
  func.func @transform_14(%arg0: i32) -> (i32, i32) {
    %c0_i32 = arith.constant 0 : i32
    %c0_i32_0 = arith.constant 0 : i32
    %c0_i32_1 = arith.constant 0 : i32
    return %c0_i32, %c0_i32_0 : i32, i32
  }
  func.func @transform_15(%arg0: i32) -> (i32, i32) {
    %c0_i32 = arith.constant 0 : i32
    %c0_i32_0 = arith.constant 0 : i32
    return %arg0, %c0_i32 : i32, i32
  }
}

</mosaic_0001>

<sc_bundles>
// kernel: kernel.6.cloned.1.call-start
scs
__scs_entry_jumppad:
0x0: {  	(pc) =	sbr.rel $0x88, $3  }
0x1: {  	(tag) =	ssettag $0x0;
	lr =	simm.s32 $0x1  }
0x2: {  	[smem:$0x3F8B] =	sst lr;
	_ =	strace $0xD0000000  }
0x3: {  	_ = 	snop  }
0x4: {  	_ = 	snop  }
0x5: {  	_ = 	snop  }
0x6: {  	_ = 	snop  }
0x7: {  	_ = 	snop  }
__scs_overlays_trampoline_lowered:
0x8: {  	[smem:$0x3F9A] =	sst s0  }
0x9: {  	[smem:$0x3F9B] =	sst s1  }
0xa: {  	[smem:$0x3F9C] =	sst s2  }
0xb: {  	[smem:$0x3F9D] =	sst s3  }
0xc: {  	[smem:$0x3F9E] =	sst s4  }
0xd: {  	[smem:$0x3F9F] =	sst s5  }
0xe: {  	[smem:$0x3FA0] =	sst s6  }
0xf: {  	[smem:$0x3FA1] =	sst s7  }
0x10: {  	[smem:$0x3FA2] =	sst s8  }
0x11: {  	[smem:$0x3FA3] =	sst s9;
	s0 =	simm.s32 @!p0 $0x0  }
0x12: {  	s1 =	sld [smem:$0x3F89];
	s0 =	simm.s32 @p0 $0x1  }
0x13: {  	[smem:$0x3FA4] =	sst s0;
	s0 =	simm.s32 @!p1 $0x0  }
0x14: {  	s2 =	sld [smem:$0x3F88];
	s0 =	simm.s32 @p1 $0x1  }
0x15: {  	[smem:$0x3FA5] =	sst s0;
	s0 =	simm.s32 @!p2 $0x0  }
0x16: {  	s3 =	sld [smem:$0x3FDB];
	s0 =	simm.s32 @p2 $0x1  }
0x17: {  	s4 =	simm.s32 $0x1BF5;
	[smem:$0x3FA7] =	sst s0  }
0x18: {  	s0 =	sld [smem:$0x3F8A];
	_ =	swait.ge [sflag:s4], $0x0  }
0x19: {  	s7 =	sld [smem:$0x3F8B]  }
0x1a: {  	s8 =	sadd.s32 $0xFFFFE003, lr  }
0x1b: {  	s9 =	sadd.s32 $0xFFFFFEF7, lr;
	s5 =	simm.s32 $0xFFFFFFFF;
	p2 =	slt.u32 s8, $0xFFFFF086  }
0x1c: {  	p1 =	slt.u32 s9, $0xF7A;
	s5 =	simm.s32 @!p2 $0x0  }
0x1d: {  	s5 =	simm.s32 @p1 $0x1;
	p0 =	seq.s32 s7, s2  }
0x1e: {  	s7 =	smul.u32 @!p0 $0xF7A, s2;
	p2 =	seq.s32 @!p0 s5, $0x0  }
0x1f: {  	s9 =	smul.u32 $0xF7A, s1;
	s8 =	simm.s32 @!p0 $0x1BF5;
	p2 =	por !p2, p0  }
0x20: {  	[sflag:s8] =	ssyncset.s32 @!p0 $0xFFFFF086;
	s6 =	sadd.s32 @!p0 s3, s7;
	s7 =	simm.s32 @!p0 $0x108  }
0x21: {  	s3 =	sadd.s32 s3, s9;
	s6 =	sadd.s32 @!p0 $0x88, s6;
	s7 =	simm.s32 @p2 $0x1082  }
0x22: {  	[simem:s7], [sflag:s8] =	dma.local @!p0 [hbm:s6], $0xF7A  }
0x23: {  	s9 =	sor.u32 $0xD0000000, s2;
	s6 =	simm.s32 $0x108;
	_ =	swait.ge @!p0 [sflag:s8], $0x0  }
0x24: {  	s3 =	sadd.s32 $0x88, s3;
	s6 =	simm.s32 @!p1 $0x1082;
	[sflag:s4] =	ssyncset.s32 $0xFFFFF086  }
0x25: {  	[simem:s6], [sflag:s4] =	dma.local [hbm:s3], $0xF7A  }
0x26: {  	[smem:$0x3F8B] =	sst s1;
	(tag) =	ssettag s2;
	_ =	strace s9  }
0x27: {  	s1 =	sld [smem:$0x3F9B]  }
0x28: {  	s2 =	sld [smem:$0x3F9C]  }
0x29: {  	s4 =	sld [smem:$0x3F9E]  }
0x2a: {  	p0 =	seq.s32 s5, $0x0;
	s5 =	sld [smem:$0x3F9F]  }
0x2b: {  	s6 =	sld [smem:$0x3FA0]  }
0x2c: {  	s7 =	sld [smem:$0x3FA1]  }
0x2d: {  	s3 =	simm.s32 $0x108;
	s8 =	sld [smem:$0x3FA2]  }
0x2e: {  	s3 =	simm.s32 @!p0 $0x1082;
	s9 =	sld [smem:$0x3FA3]  }
0x2f: {  	lr =	sadd.s32 s0, s3;
	s0 =	sld [smem:$0x3F9A]  }
0x30: {  	s3 =	sld [smem:$0x3F9D]  }
0x31: {  	[smem:$0x3FA6] =	sst s10  }
0x32: {  	s10 =	sld [smem:$0x3FA4];
	_ =	sdelay $0x3  }
0x33: {  	p0 =	seq.s32 s10, $0x1;
	s10 =	sld [smem:$0x3FA6];
	_ =	sdelay $0x3  }
0x34: {  	[smem:$0x3FA6] =	sst s10  }
0x35: {  	s10 =	sld [smem:$0x3FA5];
	_ =	sdelay $0x3  }
0x36: {  	p1 =	seq.s32 s10, $0x1;
	s10 =	sld [smem:$0x3FA6];
	_ =	sdelay $0x3  }
0x37: {  	[smem:$0x3FA6] =	sst s10  }
0x38: {  	s10 =	sld [smem:$0x3FA7]  }
0x39: {  	_ = 	snop;
	(pc) =	sbr.ind lr, $3  }
0x3a: {  	_ = 	snop  }
0x3b: {  	_ = 	snop  }
0x3c: {  	p2 =	seq.s32 s10, $0x1;
	s10 =	sld [smem:$0x3FA6]  }
0x3d: {  	_ =	shalt  }
0x3e: {  	_ =	shalt  }
0x3f: {  	_ =	shalt  }
0x40: {  	_ =	shalt  }
0x41: {  	_ =	shalt  }
0x42: {  	_ =	shalt  }
0x43: {  	_ =	shalt  }
0x44: {  	_ =	shalt  }
0x45: {  	_ =	shalt  }
0x46: {  	_ =	shalt  }
0x47: {  	_ =	shalt  }
0x48: {  	_ =	shalt  }
0x49: {  	_ =	shalt  }
0x4a: {  	_ =	shalt  }
0x4b: {  	_ =	shalt  }
0x4c: {  	_ =	shalt  }
0x4d: {  	_ =	shalt  }
0x4e: {  	_ =	shalt  }
0x4f: {  	_ =	shalt  }
0x50: {  	_ =	shalt  }
0x51: {  	_ =	shalt  }
0x52: {  	_ =	shalt  }
0x53: {  	_ =	shalt  }
0x54: {  	_ =	shalt  }
0x55: {  	_ =	shalt  }
0x56: {  	_ =	shalt  }
0x57: {  	_ =	shalt  }
0x58: {  	_ =	shalt  }
0x59: {  	_ =	shalt  }
0x5a: {  	_ =	shalt  }
0x5b: {  	_ =	shalt  }
0x5c: {  	_ =	shalt  }
0x5d: {  	_ =	shalt  }
0x5e: {  	_ =	shalt  }
0x5f: {  	_ =	shalt  }
0x60: {  	_ =	shalt  }
0x61: {  	_ =	shalt  }
0x62: {  	_ =	shalt  }
0x63: {  	_ =	shalt  }
0x64: {  	_ =	shalt  }
0x65: {  	_ =	shalt  }
0x66: {  	_ =	shalt  }
0x67: {  	_ =	shalt  }
0x68: {  	_ =	shalt  }
0x69: {  	_ =	shalt  }
0x6a: {  	_ =	shalt  }
0x6b: {  	_ =	shalt  }
0x6c: {  	_ =	shalt  }
0x6d: {  	_ =	shalt  }
0x6e: {  	_ =	shalt  }
0x6f: {  	_ =	shalt  }
0x70: {  	_ =	shalt  }
0x71: {  	_ =	shalt  }
0x72: {  	_ =	shalt  }
0x73: {  	_ =	shalt  }
0x74: {  	_ =	shalt  }
0x75: {  	_ =	shalt  }
0x76: {  	_ =	shalt  }
0x77: {  	_ =	shalt  }
0x78: {  	_ =	shalt  }
0x79: {  	_ =	shalt  }
0x7a: {  	_ =	shalt  }
0x7b: {  	_ =	shalt  }
0x7c: {  	_ =	shalt  }
0x7d: {  	_ =	shalt  }
0x7e: {  	_ =	shalt  }
0x7f: {  	_ =	shalt  }
0x80: {  	_ =	shalt  }
0x81: {  	_ =	shalt  }
0x82: {  	_ =	shalt  }
0x83: {  	_ =	shalt  }
0x84: {  	_ =	shalt  }
0x85: {  	_ =	shalt  }
0x86: {  	_ =	shalt  }
0x87: {  	_ =	shalt  }
.Lfunc_end0:
.L_simem_size_0:
called_computation_lowered:
.L_overlay_start_0:
0x88: {  	s2 =	sld [smem:$0x3FD9]  }
0x89: {  	s3 =	sld [smem:$0x3FFE];
	_ =	sdelay $0x1  }
0x8a: {  	s1 =	srdreg.scid  }
0x8b: {  	s0 =	sand.u32 $0x1, s1  }
0x8c: {  	s17 =	sshll.u32 s0, $0xA;
	s2 =	sadd.s32 s3, s2  }
0x8d: {  	s2 =	sadd.s32 s2, s17  }
0x8e: {  	[smem:$0x3FB2] =	sst s2  }
0x8f: {  	_ = 	snop  }
0x90: {  	s2 =	sld [smem:$0x3FC9]  }
0x91: {  	s18 =	sld [smem:$0x3FD0];
	(tm) =	ssettm $0x1  }
0x92: {  	s4 =	sld [smem:$0x3FFB];
	_ =	sdelay $0x3  }
0x93: {  	_ =	strace s4  }
0x94: {  	s4 =	sld [smem:$0x3FFC];
	_ =	sdelay $0x3  }
0x95: {  	_ =	strace s4  }
0x96: {  	s4 =	sld [smem:$0x3FFD];
	_ =	sdelay $0x3  }
0x97: {  	_ =	strace s4  }
0x98: {  	_ =	strace $0x8FFFFFFF  }
0x99: {  	s19 =	sld [smem:$0x3FDB];
	_ =	sdelay $0x1  }
0x9a: {  	s5 =	simm.s32 $_scs_section_size  }
0x9b: {  	s6 =	simm.s32 $_size__tile_overlayer_lowered;
	s7 =	simm.s32 $_tile_overlayer_lowered  }
0x9c: {  	s22 =	simm.s32 $0x1BFF;
	s21 =	sshll.u32 s7, $0x1;
	s4 =	sadd.s32 s5, s19  }
0x9d: {  	s8 =	simm.s32 $0x0;
	s20 =	sshll.u32 s6, $0x1;
	s6 =	sadd.s32 s21, s4  }
0x9e: {  	[timem:s8], [sflag:s22] =	dma.local [hbm:s6], s20  }
0x9f: {  	_ =	swait.ge [sflag:s22], s20  }
0xa0: {  	s5 =	ssub.s32 $0x0, s20;
	[sflag:s22] =	ssyncset.done $0x0  }
0xa1: {  	[sflag:s22] =	ssyncadd.s32 s5;
	_ =	sdelay $0x1  }
0xa2: {  	s23 =	simm.s32 $0x1B8B  }
0xa3: {  	_ =	swait.ge [sflag:s23], $0x1  }
0xa4: {  	[sflag:s23] =	ssyncset.done $0x0  }
0xa5: {  	s25 =	simm.s32 $0x1B8E;
	s24 =	sld [smem:$0x3FFE];
	[sflag:s23] =	ssyncadd.s32 $0xFFFFFFFF  }
0xa6: {  	s26 =	simm.s32 $execute0_lowered;
	[smem:$0x3FD2] =	sst s25  }
0xa7: {  	s6 =	sshll.u32 s26, $0x1;
	_ =	strace $0x80000046;
	[dreg:$0x1] =	wrdreg $0xFFFFFFFF  }
0xa8: {  	s28 =	simm.s32 $_size_execute0_lowered;
	s4 =	sadd.s32 s4, s6;
	[dreg:$0x0] =	wrdreg $0x0  }
0xa9: {  	s6 =	sshll.u32 s28, $0x1;
	[dreg:$0x2] =	wrdreg s4  }
0xaa: {  	[dreg:$0x3] =	wrdreg s6  }
0xab: {  	[dreg:$0x4] =	wrdreg $0xC0  }
0xac: {  	_ =	task [dreg:s8], $0x5FFFF  }
0xad: {  	[dreg:$0x1] =	wrdreg $0xFFFFFFFF  }
0xae: {  	[dreg:$0x0] =	wrdreg $0x60  }
0xaf: {  	[dreg:$0x2] =	wrdreg s2  }
0xb0: {  	[dreg:$0x3] =	wrdreg s24  }
0xb1: {  	[dreg:$0x4] =	wrdreg s18  }
0xb2: {  	[dreg:$0x5] =	wrdreg $0xBC000  }
0xb3: {  	[dreg:$0x6] =	wrdreg $0x1F4800  }
0xb4: {  	[dreg:$0x7] =	wrdreg $0x9  }
0xb5: {  	_ =	task.clear_ibuf [dreg:s8], $0x8FFFF;
	_ =	strace $0x90000046  }
0xb6: {  	s29 =	simm.s32 $0x9;
	_ =	strace $0x80000048  }
0xb7: {  	_ =	swait.ge [sflag:s29], $0x1  }
0xb8: {  	[sflag:s29] =	ssyncadd.s32 $0xFFFFFFFF  }
0xb9: {  	_ =	strace $0x90000048  }
0xba: {  	_ =	sfence  }
0xbb: {  	s30 =	sld [smem:$0x0];
	_ =	sdelay $0x2  }
0xbc: {  	s31 =	sshll.u32 s1, $0xD;
	s1 =	sshrl.u32 s1, $0x2  }
0xbd: {  	s3 =	sand.u32 $0x4000, s31;
	s1 =	sadd.s32 s1, s30  }
0xbe: {  	s0 =	sor.u32 s3, s0;
	s1 =	sshll.u32 s1, $0x11  }
0xbf: {  	s0 =	sor.u32 s1, s0  }
0xc0: {  	s0 =	sadd.s32 $0x8F2B, s0  }
0xc1: {  	[sflag:s0] =	ssyncadd.remote.s32 $0x1  }
0xc2: {  	_ =	sfence.sel $0xFFFF  }
0xc3: {  	[dreg:$0x0] =	wrdreg $0xFFFFFFFF;
	(pc) =	sbr.abs _section_cstart, $3  }
0xc4: {  	[dreg:$0x1] =	wrdreg $0xFFFFFFFF  }
0xc5: {  	_ =	task.clear_ibuf [dreg:s8], $0x2FFFF;
	_ =	strace $0x9FFFFFFF  }
0xc6: {  	(tm) =	ssettm $0x7FFFFFFF  }
0xc7: {  	_ =	shalt  }
tec
execute0_lowered:
.L_overlay_start_1:
0x0: {  	(tag) =	ssettag $0x1  }
0x1: {  	s1 =	rddreg [dreg:$0x0]  }
0x2: {  	s0 =	rddreg [dreg:$0x1]  }
0x3: {  	s2 =	srdreg.scid;
	s7 =	rddreg [dreg:$0x2]  }
0x4: {  	s14 =	stileid.u32;
	s3 =	rddreg [dreg:$0x3];
	s5 =	simm.s32 $0x0  }
0x5: {  	s17 =	simm.s32 $0x5;
	s18 =	simm.s32 $0x2780;
	s19 =	simm.s32 $0xB780  }
0x6: {  	s28 =	simm.s32 $0x8F80;
	s29 =	simm.s32 $0x1;
	s31 =	simm.s32 $0x2  }
0x7: {  	s30 =	simm.s32 $0x3;
	s2 =	sand.u32 $0x1, s2;
	s9 =	smul.u32 $0x3E8, s14  }
0x8: {  	s4 =	sshll.u32 s14, $0x1;
	[smem:$0x7FF] =	sst s5;
	s13 =	smul.u32 $0x7D000, s14  }
0x9: {  	s12 =	sadd.s32 $0x1DC00, s0;
	s15 =	sadd.s32 $0x1DA00, s0;
	s23 =	smul.u32 $0xFA0, s14  }
0xa: {  	p0 =	sgt.u32 s14, $0x9;
	s6 =	sor.u32 s2, s4;
	s4 =	rddreg [dreg:$0x4]  }
0xb: {  	s10 =	smul.u32 $0x2710, s2;
	_ =	strace $0x80000047;
	[dreg:$0x6] =	wrdreg s12  }
0xc: {  	s2 =	ssub.s32 $0x2, s2;
	[dreg:$0x7] =	wrdreg s15;
	s8 =	smul.u32 $0x4E2, s6  }
0xd: {  	s6 =	sshll.u32 s6, $0xB;
	s21 =	sshrl.u32 s2, $0x1;
	s22 =	sshrl.u32 s13, $0x2  }
0xe: {  	s13 =	sshrl.u32 s23, $0x2;
	s25 =	sadd.s32 s9, s4;
	s11 =	sadd.s32 s6, s0  }
0xf: {  	s6 =	sadd.s32 $0x1DE00, s0;
	s10 =	sadd.s32 s9, s10;
	s2 =	ssub.s32 s2, s21  }
0x10: {  	s13 =	sadd.s32 s13, s4;
	[dreg:$0xc] =	wrdreg s25;
	s25 =	simm.s32 $0x50  }
0x11: {  	s8 =	sadd.s32 s8, s0;
	s20 =	sshll.u32 s10, $0x4;
	s24 =	sadd.s32 $0xDA00, s11  }
0x12: {  	s11 =	sadd.s32 s22, s3;
	[dreg:$0xa] =	wrdreg s13;
	s26 =	sshrl.u32 s10, $0x3  }
0x13: {  	s16 =	smax.u32 s2, $0x1;
	s2 =	simm.s32 $0x2800;
	s0 =	sadd.s32 s20, s0  }
0x14: {  	s8 =	sadd.s32 $0x3C00, s8;
	[dreg:$0x9] =	wrdreg s24;
	s12 =	sadd.s32 $0xC800, s11  }
0x15: {  	s23 =	sadd.s32 $0x12C00, s11;
	s24 =	sadd.s32 $0x19000, s11;
	s15 =	sadd.s32 s7, s26  }
.Ltmp0:
0x16: {  	s26 =	simm.s32 $0x6780;
	s7 =	simm.s32 $0x6580;
	(pc) =	sbr.rel .LBB2_1-.Ltmp0, $4  }
0x17: {  	[dreg:$0x8] =	wrdreg s8;
	s8 =	sadd.s32 $0x6400, s11;
	s0 =	sadd.s32 $0x1EC00, s0  }
0x18: {  	s22 =	sshrl.u32 @!p0 s12, $0x3;
	s23 =	sshrl.u32 @!p0 s23, $0x3;
	s24 =	sshrl.u32 @!p0 s24, $0x3  }
0x19: {  	[dreg:$0xb] =	wrdreg s0;
	s0 =	sshll.u32 @!p0 s14, $0x6;
	s21 =	sshrl.u32 @!p0 s8, $0x3  }
0x1a: {  	s8 =	simm.s32 $0x0;
	s20 =	sor.u32 @!p0 $0x1C05, s0;
	s0 =	simm.s32 $0x4  }
.LBB2_4:
0x1b: {  	_ =	swait.ge [sflag:s29], $0x2800  }
0x1c: {  	[sflag:s29] =	ssyncset.done $0x0  }
0x1d: {  	[sflag:s29] =	ssyncadd.s32 $0xFFFFD800  }
0x1e: {  	[spmem:s4] =	stream.indirect.scatter.add.f32 [tilespmem:s19], [sflag:$0x3], $0x1, s7, s25, $0xb8;
	[tilespmem:$0x1F6F8] =	vst v63  }
0x1f: {  	_ = 	snop  }
0x20: {  	[spmem:s3] =	stream.indirect.scatter.add.f32 [tilespmem:s26], [sflag:$0x5], $0x80, s7, s25, $0xb8;
	[tilespmem:$0x1F6F8] =	vst v63  }
0x21: {  	_ =	swait.ge [sflag:s17], $0x2800  }
0x22: {  	[sflag:s17] =	ssyncset.done $0x0  }
0x23: {  	[sflag:s17] =	ssyncadd.s32 $0xFFFFD800  }
0x24: {  	_ =	swait.ge [sflag:s30], $0x50  }
0x25: {  	[sflag:s30] =	ssyncset.done $0x0  }
0x26: {  	[sflag:s30] =	ssyncadd.s32 $0xFFFFFFB0  }
0x27: {  	_ =	swait.ge [sflag:s30], $0x50  }
0x28: {  	[sflag:s30] =	ssyncset.done $0x0  }
0x29: {  	[sflag:s30] =	ssyncadd.s32 $0xFFFFFFB0  }
0x2a: {  	_ =	swait.ge [sflag:s0], $0x50  }
0x2b: {  	[sflag:s0] =	ssyncset.done $0x0  }
0x2c: {  	[sflag:s0] =	ssyncadd.s32 $0xFFFFFFB0  }
0x2d: {  	[bflag:$0x0] =	sbarrier.arrive $0xFFFF  }
0x2e: {  	s10 =	rddreg [dreg:$0xb]  }
0x2f: {  	[hbm:s10], [sflag:s20] =	dma.local @!p0 [spmem:s9], $0x3E80  }
0x30: {  	s9 =	simm.s32 @!p0 $0x5  }
0x31: {  	_ =	swait.ge @!p0 [sflag:s9], $0x3E80  }
0x32: {  	[sflag:s9] =	ssyncset.done @!p0 $0x0  }
0x33: {  	s10 =	simm.s32 @!p0 $0xB800;
	s12 =	rddreg [dreg:$0xc];
	[sflag:s9] =	ssyncadd.s32 @!p0 $0xFFFFC180  }
0x34: {  	[tilespmem:s10], [sflag:$0x5] =	stream.linear.gather @!p0 [spmem:s12], $0x3E8, $0x38;
	[tilespmem:$0x1F6F8] =	vst v63  }
0x35: {  	s8 =	sadd.s32 $0x1, s8;
	_ =	swait.ge @!p0 [sflag:s9], $0x3E8  }
0x36: {  	p1 =	sne.s32 s8, s16;
	[sflag:s9] =	ssyncset.done @!p0 $0x0  }
.Ltmp1:
0x37: {  	s12 =	simm.s32 @!p0 $0x0;
	[sflag:s9] =	ssyncadd.s32 @!p0 $0xFFFFFC18;
	(pc) =	sbr.rel @!p1 .LBB2_5-.Ltmp1, $4  }
0x38: {  	[hbm4b:s15+s12] =	stream.linear.scatter @!p0 [tilespmem:s10], [sflag:$0x5], $0x3E8, $0x38;
	[tilespmem:$0x1F6F8] =	vst v63  }
0x39: {  	_ =	swait.ge @!p0 [sflag:s9], $0x3E8  }
0x3a: {  	[sflag:s9] =	ssyncset.done @!p0 $0x0  }
0x3b: {  	[sflag:s9] =	ssyncadd.s32 @!p0 $0xFFFFFC18  }
.LBB2_1:
0x3c: {  	s9 =	rddreg [dreg:$0x8]  }
0x3d: {  	[tilespmem:s5], [sflag:$0x5] =	stream.linear.gather [hbm4b:s9+s5], $0x2710, $0x38;
	[tilespmem:$0x1F6F8] =	vst v63  }
0x3e: {  	_ =	swait.ge [sflag:s17], $0x2710  }
0x3f: {  	[sflag:s17] =	ssyncset.done $0x0  }
0x40: {  	s10 =	rddreg [dreg:$0x9];
	[sflag:s17] =	ssyncadd.s32 $0xFFFFD8F0  }
0x41: {  	[tilespmem:s18], [sflag:$0x5] =	stream.linear.gather [hbm4b:s10+s5], $0x3E80, $0x38;
	[tilespmem:$0x1F6F8] =	vst v63  }
0x42: {  	_ =	swait.ge [sflag:s17], $0x3E80  }
0x43: {  	[sflag:s17] =	ssyncset.done $0x0  }
0x44: {  	s12 =	rddreg [dreg:$0x7];
	[sflag:s17] =	ssyncadd.s32 $0xFFFFC180  }
0x45: {  	[tilespmem:s19], [sflag:$0x5] =	stream.linear.gather [hbm4b:s12+s5], $0x80, $0x38;
	[tilespmem:$0x1F6F8] =	vst v63  }
0x46: {  	_ =	swait.ge [sflag:s17], $0x80  }
0x47: {  	[sflag:s17] =	ssyncset.done $0x0  }
0x48: {  	s9 =	sshrl.u32 @!p0 s11, $0x3;
	s10 =	simm.s32 @!p0 $0x5;
	[sflag:s17] =	ssyncadd.s32 $0xFFFFFF80  }
0x49: {  	[spmem:s9], [sflag:s20] =	dma.local @!p0 [hbm:s6], $0xC80  }
0x4a: {  	_ =	swait.ge @!p0 [sflag:s10], $0xC80  }
0x4b: {  	[sflag:s10] =	ssyncset.done @!p0 $0x0  }
0x4c: {  	[sflag:s10] =	ssyncadd.s32 @!p0 $0xFFFFF380  }
0x4d: {  	[spmem:s21], [sflag:s20] =	dma.local @!p0 [hbm:s6], $0xC80  }
0x4e: {  	_ =	swait.ge @!p0 [sflag:s10], $0xC80  }
0x4f: {  	[sflag:s10] =	ssyncset.done @!p0 $0x0  }
0x50: {  	[sflag:s10] =	ssyncadd.s32 @!p0 $0xFFFFF380  }
0x51: {  	[spmem:s22], [sflag:s20] =	dma.local @!p0 [hbm:s6], $0xC80  }
0x52: {  	_ =	swait.ge @!p0 [sflag:s10], $0xC80  }
0x53: {  	[sflag:s10] =	ssyncset.done @!p0 $0x0  }
0x54: {  	[sflag:s10] =	ssyncadd.s32 @!p0 $0xFFFFF380  }
0x55: {  	[spmem:s23], [sflag:s20] =	dma.local @!p0 [hbm:s6], $0xC80  }
0x56: {  	_ =	swait.ge @!p0 [sflag:s10], $0xC80  }
0x57: {  	[sflag:s10] =	ssyncset.done @!p0 $0x0  }
0x58: {  	[sflag:s10] =	ssyncadd.s32 @!p0 $0xFFFFF380  }
0x59: {  	[spmem:s24], [sflag:s20] =	dma.local @!p0 [hbm:s6], $0xC80  }
0x5a: {  	_ =	swait.ge @!p0 [sflag:s10], $0xC80  }
0x5b: {  	s13 =	simm.s32 @!p0 $0xB800;
	[sflag:s10] =	ssyncset.done @!p0 $0x0  }
0x5c: {  	s12 =	simm.s32 @!p0 $0x0;
	s14 =	rddreg [dreg:$0x6];
	[sflag:s10] =	ssyncadd.s32 @!p0 $0xFFFFF380  }
0x5d: {  	[tilespmem:s13], [sflag:$0x5] =	stream.linear.gather @!p0 [hbm4b:s14+s12], $0x400, $0x38;
	[tilespmem:$0x1F6F8] =	vst v63  }
0x5e: {  	_ =	swait.ge @!p0 [sflag:s10], $0x400  }
0x5f: {  	[sflag:s10] =	ssyncset.done @!p0 $0x0  }
0x60: {  	s12 =	rddreg [dreg:$0xa];
	[sflag:s10] =	ssyncadd.s32 @!p0 $0xFFFFFC00  }
0x61: {  	[spmem:s12] =	stream.linear.scatter @!p0 [tilespmem:s13], [sflag:$0x5], $0x3E8, $0x38;
	[tilespmem:$0x1F6F8] =	vst v63  }
0x62: {  	_ =	swait.ge @!p0 [sflag:s10], $0x3E8  }
0x63: {  	[sflag:s10] =	ssyncset.done @!p0 $0x0  }
0x64: {  	[sflag:s10] =	ssyncadd.s32 @!p0 $0xFFFFFC18  }
0x65: {  	[bflag:$0x0] =	sbarrier.arrive $0xFFFF  }
0x66: {  	[tilespmem:s26], [sflag:$0x1] =	stream.indirect.gather [hbm4b:s1+s25], $0x80, s5, s25, $0xb8;
	[tilespmem:$0x1F6F8] =	vst v63  }
0x67: {  	_ = 	snop  }
0x68: {  	[tilespmem:s28], [sflag:$0x2] =	stream.indirect.gather [hbm4b:s1+s25], $0x80, s25, s25, $0xb8;
	[tilespmem:$0x1F6F8] =	vst v63  }
0x69: {  	_ =	swait.ge [sflag:s29], $0x2800  }
0x6a: {  	[sflag:s29] =	ssyncset.done $0x0  }
0x6b: {  	[sflag:s29] =	ssyncadd.s32 $0xFFFFD800  }
0x6c: {  	[spmem:s4] =	stream.indirect.scatter.add.f32 [tilespmem:s19], [sflag:$0x3], $0x1, s18, s25, $0xb8;
	[tilespmem:$0x1F6F8] =	vst v63  }
0x6d: {  	_ = 	snop  }
0x6e: {  	[spmem:s3] =	stream.indirect.scatter.add.f32 [tilespmem:s26], [sflag:$0x5], $0x80, s18, s25, $0xb8;
	[tilespmem:$0x1F6F8] =	vst v63  }
0x6f: {  	_ =	swait.ge [sflag:s17], $0x2800  }
0x70: {  	[sflag:s17] =	ssyncset.done $0x0  }
0x71: {  	s13 =	simm.s32 $0xA0;
	[sflag:s17] =	ssyncadd.s32 $0xFFFFD800  }
0x72: {  	[tilespmem:s26], [sflag:$0x1] =	stream.indirect.gather [hbm4b:s1+s25], $0x80, s13, s25, $0xb8;
	[tilespmem:$0x1F6F8] =	vst v63  }
0x73: {  	_ =	swait.ge [sflag:s31], $0x2800  }
0x74: {  	[sflag:s31] =	ssyncset.done $0x0  }
0x75: {  	[sflag:s31] =	ssyncadd.s32 $0xFFFFD800  }
0x76: {  	[spmem:s4] =	stream.indirect.scatter.add.f32 [tilespmem:s19], [sflag:$0x4], $0x1, s2, s25, $0xb8;
	[tilespmem:$0x1F6F8] =	vst v63  }
0x77: {  	_ = 	snop  }
0x78: {  	[spmem:s3] =	stream.indirect.scatter.add.f32 [tilespmem:s28], [sflag:$0x5], $0x80, s2, s25, $0xb8;
	[tilespmem:$0x1F6F8] =	vst v63  }
0x79: {  	_ =	swait.ge [sflag:s17], $0x2800  }
0x7a: {  	s14 =	simm.s32 $0xF0;
	[sflag:s17] =	ssyncset.done $0x0  }
0x7b: {  	s12 =	simm.s32 $0xFFFF6A00;
	s10 =	simm.s32 $0x2900;
	[sflag:s17] =	ssyncadd.s32 $0xFFFFD800  }
0x7c: {  	[tilespmem:s28], [sflag:$0x2] =	stream.indirect.gather [hbm4b:s1+s25], $0x80, s14, s25, $0xb8;
	[tilespmem:$0x1F6F8] =	vst v63  }
.LBB2_2:
0x7d: {  	_ =	swait.ge [sflag:s29], $0x2800  }
0x7e: {  	[sflag:s29] =	ssyncset.done $0x0  }
0x7f: {  	[sflag:s29] =	ssyncadd.s32 $0xFFFFD800  }
0x80: {  	_ =	swait.ge [sflag:s30], $0x50  }
0x81: {  	[sflag:s30] =	ssyncset.done $0x0  }
0x82: {  	s13 =	sadd.s32 $0xFFFFFF80, s10;
	[sflag:s30] =	ssyncadd.s32 $0xFFFFFFB0  }
0x83: {  	[spmem:s4] =	stream.indirect.scatter.add.f32 [tilespmem:s19], [sflag:$0x3], $0x1, s13, s25, $0xb8;
	[tilespmem:$0x1F6F8] =	vst v63  }
0x84: {  	_ = 	snop  }
0x85: {  	[spmem:s3] =	stream.indirect.scatter.add.f32 [tilespmem:s26], [sflag:$0x5], $0x80, s13, s25, $0xb8;
	[tilespmem:$0x1F6F8] =	vst v63  }
0x86: {  	_ =	swait.ge [sflag:s17], $0x2800  }
0x87: {  	s13 =	sshra.s32 s12, $0x2;
	[sflag:s17] =	ssyncset.done $0x0  }
0x88: {  	s14 =	sadd.s32 $0x26C0, s13;
	[sflag:s17] =	ssyncadd.s32 $0xFFFFD800  }
0x89: {  	[tilespmem:s26], [sflag:$0x1] =	stream.indirect.gather [hbm4b:s1+s25], $0x80, s14, s25, $0xb8;
	[tilespmem:$0x1F6F8] =	vst v63  }
0x8a: {  	_ =	swait.ge [sflag:s31], $0x2800  }
0x8b: {  	[sflag:s31] =	ssyncset.done $0x0  }
0x8c: {  	[sflag:s31] =	ssyncadd.s32 $0xFFFFD800  }
0x8d: {  	_ =	swait.ge [sflag:s0], $0x50  }
0x8e: {  	[sflag:s0] =	ssyncset.done $0x0  }
0x8f: {  	p1 =	seq.s32 s12, $0x0;
	[sflag:s0] =	ssyncadd.s32 $0xFFFFFFB0  }
0x90: {  	[spmem:s4] =	stream.indirect.scatter.add.f32 [tilespmem:s19], [sflag:$0x4], $0x1, s10, s25, $0xb8;
	[tilespmem:$0x1F6F8] =	vst v63  }
.Ltmp2:
0x91: {  	_ = 	snop;
	(pc) =	sbr.rel @p1 .LBB2_4-.Ltmp2, $4  }
0x92: {  	[spmem:s3] =	stream.indirect.scatter.add.f32 [tilespmem:s28], [sflag:$0x5], $0x80, s10, s25, $0xb8;
	[tilespmem:$0x1F6F8] =	vst v63  }
0x93: {  	_ =	swait.ge [sflag:s17], $0x2800  }
0x94: {  	[sflag:s17] =	ssyncset.done $0x0  }
0x95: {  	[sflag:s17] =	ssyncadd.s32 $0xFFFFD800  }
.Ltmp3:
0x96: {  	(pc) =	sbr.rel .LBB2_2-.Ltmp3, $3  }
0x97: {  	_ =	sdelay $0x1  }
0x98: {  	s13 =	sadd.s32 $0x2710, s13;
	s10 =	sadd.s32 $0x100, s10;
	s12 =	sadd.s32 $0x280, s12  }
0x99: {  	[tilespmem:s28], [sflag:$0x2] =	stream.indirect.gather [hbm4b:s1+s25], $0x80, s13, s25, $0xb8;
	[tilespmem:$0x1F6F8] =	vst v63  }
.LBB2_5:
0x9a: {  	_ =	sfence.sel $0x180000  }
0x9b: {  	[bflag:$0x0] =	sbarrier.arrive $0xFFFF  }
0x9c: {  	_ =	strace $0x90000047  }
0x9d: {  	s0 =	stileid.u32;
	[bflag:$0x2] =	sbarrier.arrive $0xFFFF  }
0x9e: {  	p0 =	sne.s32 s0, $0x0;
	s0 =	rddreg [dreg:$0x5]  }
0x9f: {  	s0 =	sadd.s32 @!p0 $0x100000, s0  }
0xa0: {  	[sflag:s0] =	ssyncadd.tile.s32 @!p0 $0x1;
	_ =	shalt  }
.Lfunc_end2:
_tile_overlayer_lowered:
.L_overlay_start_2:
0xa1: {  	(tag) =	ssettag $0x2  }
0xa2: {  	s0 =	rddreg [dreg:$0x0];
	s2 =	stileid.u32  }
0xa3: {  	s1 =	rddreg [dreg:$0x1];
	p0 =	sne.s32 s2, $0x0  }
0xa4: {  	s3 =	rddreg [dreg:$0x2];
	[bflag:$0x3] =	sbarrier.arrive $0xFFFF;
	s2 =	simm.s32 @!p0 $0x1C05  }
0xa5: {  	[timem:s3], [sflag:s2] =	dma.local @!p0 [hbm:s0], s1  }
0xa6: {  	s0 =	simm.s32 @!p0 $0x5  }
0xa7: {  	_ =	swait.ge @!p0 [sflag:s0], s1  }
0xa8: {  	s1 =	ssub.s32 @!p0 $0x0, s1;
	[sflag:s0] =	ssyncset.done @!p0 $0x0  }
0xa9: {  	[sflag:s0] =	ssyncadd.s32 @!p0 s1  }
0xaa: {  	[bflag:$0x3] =	sbarrier.arrive $0xFFFF  }
0xab: {  	_ =	shalt  }

// kernel: kernel.9.cloned.1.call-start
scs
__scs_entry_jumppad:
0x0: {  	(pc) =	sbr.rel $0x88, $3  }
0x1: {  	(tag) =	ssettag $0x0;
	lr =	simm.s32 $0x1  }
0x2: {  	[smem:$0x3F8B] =	sst lr;
	_ =	strace $0xD0000000  }
0x3: {  	_ = 	snop  }
0x4: {  	_ = 	snop  }
0x5: {  	_ = 	snop  }
0x6: {  	_ = 	snop  }
0x7: {  	_ = 	snop  }
__scs_overlays_trampoline_lowered:
0x8: {  	[smem:$0x3F9A] =	sst s0  }
0x9: {  	[smem:$0x3F9B] =	sst s1  }
0xa: {  	[smem:$0x3F9C] =	sst s2  }
0xb: {  	[smem:$0x3F9D] =	sst s3  }
0xc: {  	[smem:$0x3F9E] =	sst s4  }
0xd: {  	[smem:$0x3F9F] =	sst s5  }
0xe: {  	[smem:$0x3FA0] =	sst s6  }
0xf: {  	[smem:$0x3FA1] =	sst s7  }
0x10: {  	[smem:$0x3FA2] =	sst s8  }
0x11: {  	[smem:$0x3FA3] =	sst s9;
	s0 =	simm.s32 @!p0 $0x0  }
0x12: {  	s1 =	sld [smem:$0x3F89];
	s0 =	simm.s32 @p0 $0x1  }
0x13: {  	[smem:$0x3FA4] =	sst s0;
	s0 =	simm.s32 @!p1 $0x0  }
0x14: {  	s2 =	sld [smem:$0x3F88];
	s0 =	simm.s32 @p1 $0x1  }
0x15: {  	[smem:$0x3FA5] =	sst s0;
	s0 =	simm.s32 @!p2 $0x0  }
0x16: {  	s3 =	sld [smem:$0x3FDB];
	s0 =	simm.s32 @p2 $0x1  }
0x17: {  	s4 =	simm.s32 $0x1BF5;
	[smem:$0x3FA7] =	sst s0  }
0x18: {  	s0 =	sld [smem:$0x3F8A];
	_ =	swait.ge [sflag:s4], $0x0  }
0x19: {  	s7 =	sld [smem:$0x3F8B]  }
0x1a: {  	s8 =	sadd.s32 $0xFFFFE003, lr  }
0x1b: {  	s9 =	sadd.s32 $0xFFFFFEF7, lr;
	s5 =	simm.s32 $0xFFFFFFFF;
	p2 =	slt.u32 s8, $0xFFFFF086  }
0x1c: {  	p1 =	slt.u32 s9, $0xF7A;
	s5 =	simm.s32 @!p2 $0x0  }
0x1d: {  	s5 =	simm.s32 @p1 $0x1;
	p0 =	seq.s32 s7, s2  }
0x1e: {  	s7 =	smul.u32 @!p0 $0xF7A, s2;
	p2 =	seq.s32 @!p0 s5, $0x0  }
0x1f: {  	s9 =	smul.u32 $0xF7A, s1;
	s8 =	simm.s32 @!p0 $0x1BF5;
	p2 =	por !p2, p0  }
0x20: {  	[sflag:s8] =	ssyncset.s32 @!p0 $0xFFFFF086;
	s6 =	sadd.s32 @!p0 s3, s7;
	s7 =	simm.s32 @!p0 $0x108  }
0x21: {  	s3 =	sadd.s32 s3, s9;
	s6 =	sadd.s32 @!p0 $0x88, s6;
	s7 =	simm.s32 @p2 $0x1082  }
0x22: {  	[simem:s7], [sflag:s8] =	dma.local @!p0 [hbm:s6], $0xF7A  }
0x23: {  	s9 =	sor.u32 $0xD0000000, s2;
	s6 =	simm.s32 $0x108;
	_ =	swait.ge @!p0 [sflag:s8], $0x0  }
0x24: {  	s3 =	sadd.s32 $0x88, s3;
	s6 =	simm.s32 @!p1 $0x1082;
	[sflag:s4] =	ssyncset.s32 $0xFFFFF086  }
0x25: {  	[simem:s6], [sflag:s4] =	dma.local [hbm:s3], $0xF7A  }
0x26: {  	[smem:$0x3F8B] =	sst s1;
	(tag) =	ssettag s2;
	_ =	strace s9  }
0x27: {  	s1 =	sld [smem:$0x3F9B]  }
0x28: {  	s2 =	sld [smem:$0x3F9C]  }
0x29: {  	s4 =	sld [smem:$0x3F9E]  }
0x2a: {  	p0 =	seq.s32 s5, $0x0;
	s5 =	sld [smem:$0x3F9F]  }
0x2b: {  	s6 =	sld [smem:$0x3FA0]  }
0x2c: {  	s7 =	sld [smem:$0x3FA1]  }
0x2d: {  	s3 =	simm.s32 $0x108;
	s8 =	sld [smem:$0x3FA2]  }
0x2e: {  	s3 =	simm.s32 @!p0 $0x1082;
	s9 =	sld [smem:$0x3FA3]  }
0x2f: {  	lr =	sadd.s32 s0, s3;
	s0 =	sld [smem:$0x3F9A]  }
0x30: {  	s3 =	sld [smem:$0x3F9D]  }
0x31: {  	[smem:$0x3FA6] =	sst s10  }
0x32: {  	s10 =	sld [smem:$0x3FA4];
	_ =	sdelay $0x3  }
0x33: {  	p0 =	seq.s32 s10, $0x1;
	s10 =	sld [smem:$0x3FA6];
	_ =	sdelay $0x3  }
0x34: {  	[smem:$0x3FA6] =	sst s10  }
0x35: {  	s10 =	sld [smem:$0x3FA5];
	_ =	sdelay $0x3  }
0x36: {  	p1 =	seq.s32 s10, $0x1;
	s10 =	sld [smem:$0x3FA6];
	_ =	sdelay $0x3  }
0x37: {  	[smem:$0x3FA6] =	sst s10  }
0x38: {  	s10 =	sld [smem:$0x3FA7]  }
0x39: {  	_ = 	snop;
	(pc) =	sbr.ind lr, $3  }
0x3a: {  	_ = 	snop  }
0x3b: {  	_ = 	snop  }
0x3c: {  	p2 =	seq.s32 s10, $0x1;
	s10 =	sld [smem:$0x3FA6]  }
0x3d: {  	_ =	shalt  }
0x3e: {  	_ =	shalt  }
0x3f: {  	_ =	shalt  }
0x40: {  	_ =	shalt  }
0x41: {  	_ =	shalt  }
0x42: {  	_ =	shalt  }
0x43: {  	_ =	shalt  }
0x44: {  	_ =	shalt  }
0x45: {  	_ =	shalt  }
0x46: {  	_ =	shalt  }
0x47: {  	_ =	shalt  }
0x48: {  	_ =	shalt  }
0x49: {  	_ =	shalt  }
0x4a: {  	_ =	shalt  }
0x4b: {  	_ =	shalt  }
0x4c: {  	_ =	shalt  }
0x4d: {  	_ =	shalt  }
0x4e: {  	_ =	shalt  }
0x4f: {  	_ =	shalt  }
0x50: {  	_ =	shalt  }
0x51: {  	_ =	shalt  }
0x52: {  	_ =	shalt  }
0x53: {  	_ =	shalt  }
0x54: {  	_ =	shalt  }
0x55: {  	_ =	shalt  }
0x56: {  	_ =	shalt  }
0x57: {  	_ =	shalt  }
0x58: {  	_ =	shalt  }
0x59: {  	_ =	shalt  }
0x5a: {  	_ =	shalt  }
0x5b: {  	_ =	shalt  }
0x5c: {  	_ =	shalt  }
0x5d: {  	_ =	shalt  }
0x5e: {  	_ =	shalt  }
0x5f: {  	_ =	shalt  }
0x60: {  	_ =	shalt  }
0x61: {  	_ =	shalt  }
0x62: {  	_ =	shalt  }
0x63: {  	_ =	shalt  }
0x64: {  	_ =	shalt  }
0x65: {  	_ =	shalt  }
0x66: {  	_ =	shalt  }
0x67: {  	_ =	shalt  }
0x68: {  	_ =	shalt  }
0x69: {  	_ =	shalt  }
0x6a: {  	_ =	shalt  }
0x6b: {  	_ =	shalt  }
0x6c: {  	_ =	shalt  }
0x6d: {  	_ =	shalt  }
0x6e: {  	_ =	shalt  }
0x6f: {  	_ =	shalt  }
0x70: {  	_ =	shalt  }
0x71: {  	_ =	shalt  }
0x72: {  	_ =	shalt  }
0x73: {  	_ =	shalt  }
0x74: {  	_ =	shalt  }
0x75: {  	_ =	shalt  }
0x76: {  	_ =	shalt  }
0x77: {  	_ =	shalt  }
0x78: {  	_ =	shalt  }
0x79: {  	_ =	shalt  }
0x7a: {  	_ =	shalt  }
0x7b: {  	_ =	shalt  }
0x7c: {  	_ =	shalt  }
0x7d: {  	_ =	shalt  }
0x7e: {  	_ =	shalt  }
0x7f: {  	_ =	shalt  }
0x80: {  	_ =	shalt  }
0x81: {  	_ =	shalt  }
0x82: {  	_ =	shalt  }
0x83: {  	_ =	shalt  }
0x84: {  	_ =	shalt  }
0x85: {  	_ =	shalt  }
0x86: {  	_ =	shalt  }
0x87: {  	_ =	shalt  }
.Lfunc_end0:
.L_simem_size_0:
called_computation.1_lowered:
.L_overlay_start_0:
0x88: {  	s2 =	sld [smem:$0x3FD9]  }
0x89: {  	s3 =	sld [smem:$0x3FFE];
	_ =	sdelay $0x1  }
0x8a: {  	s1 =	srdreg.scid  }
0x8b: {  	s0 =	sand.u32 $0x1, s1  }
0x8c: {  	s17 =	sshll.u32 s0, $0xA;
	s2 =	sadd.s32 s3, s2  }
0x8d: {  	s2 =	sadd.s32 s2, s17  }
0x8e: {  	[smem:$0x3FB2] =	sst s2  }
0x8f: {  	_ = 	snop  }
0x90: {  	s2 =	sld [smem:$0x3FD0];
	(tm) =	ssettm $0x1  }
0x91: {  	s18 =	sld [smem:$0x3FFB];
	_ =	sdelay $0x3  }
0x92: {  	_ =	strace s18  }
0x93: {  	s3 =	sld [smem:$0x3FFC];
	_ =	sdelay $0x3  }
0x94: {  	_ =	strace s3  }
0x95: {  	s3 =	sld [smem:$0x3FFD];
	_ =	sdelay $0x3  }
0x96: {  	_ =	strace s3  }
0x97: {  	_ =	strace $0x8FFFFFFF  }
0x98: {  	s19 =	sld [smem:$0x3FDB];
	_ =	sdelay $0x1  }
0x99: {  	s4 =	simm.s32 $_scs_section_size  }
0x9a: {  	s5 =	simm.s32 $_size__tile_overlayer_lowered;
	s6 =	simm.s32 $_tile_overlayer_lowered  }
0x9b: {  	s22 =	simm.s32 $0x1BFF;
	s21 =	sshll.u32 s6, $0x1;
	s3 =	sadd.s32 s4, s19  }
0x9c: {  	s7 =	simm.s32 $0x0;
	s20 =	sshll.u32 s5, $0x1;
	s5 =	sadd.s32 s21, s3  }
0x9d: {  	[timem:s7], [sflag:s22] =	dma.local [hbm:s5], s20  }
0x9e: {  	_ =	swait.ge [sflag:s22], s20  }
0x9f: {  	s4 =	ssub.s32 $0x0, s20;
	[sflag:s22] =	ssyncset.done $0x0  }
0xa0: {  	[sflag:s22] =	ssyncadd.s32 s4;
	_ =	sdelay $0x1  }
0xa1: {  	s23 =	simm.s32 $0x1B8B  }
0xa2: {  	_ =	swait.ge [sflag:s23], $0x1  }
0xa3: {  	[sflag:s23] =	ssyncset.done $0x0  }
0xa4: {  	s25 =	simm.s32 $0x1B8E;
	s24 =	sld [smem:$0x3FFE];
	[sflag:s23] =	ssyncadd.s32 $0xFFFFFFFF  }
0xa5: {  	s26 =	simm.s32 $execute0_lowered;
	[smem:$0x3FD2] =	sst s25  }
0xa6: {  	s5 =	sshll.u32 s26, $0x1;
	_ =	strace $0x80000049;
	[dreg:$0x1] =	wrdreg $0xFFFFFFFF  }
0xa7: {  	s28 =	simm.s32 $_size_execute0_lowered;
	s3 =	sadd.s32 s3, s5;
	[dreg:$0x0] =	wrdreg $0x0  }
0xa8: {  	s5 =	sshll.u32 s28, $0x1;
	[dreg:$0x2] =	wrdreg s3  }
0xa9: {  	[dreg:$0x3] =	wrdreg s5  }
0xaa: {  	[dreg:$0x4] =	wrdreg $0xC0  }
0xab: {  	_ =	task [dreg:s7], $0x5FFFF  }
0xac: {  	[dreg:$0x1] =	wrdreg $0xFFFFFFFF  }
0xad: {  	[dreg:$0x0] =	wrdreg $0x60  }
0xae: {  	[dreg:$0x2] =	wrdreg s2  }
0xaf: {  	[dreg:$0x3] =	wrdreg s24  }
0xb0: {  	[dreg:$0x4] =	wrdreg $0xB7800  }
0xb1: {  	[dreg:$0x5] =	wrdreg $0x9  }
0xb2: {  	_ =	task.clear_ibuf [dreg:s7], $0x6FFFF;
	_ =	strace $0x90000049  }
0xb3: {  	s29 =	simm.s32 $0x9;
	_ =	strace $0x8000004B  }
0xb4: {  	_ =	swait.ge [sflag:s29], $0x1  }
0xb5: {  	[sflag:s29] =	ssyncadd.s32 $0xFFFFFFFF  }
0xb6: {  	_ =	strace $0x9000004B  }
0xb7: {  	_ =	sfence  }
0xb8: {  	s30 =	sld [smem:$0x0];
	_ =	sdelay $0x2  }
0xb9: {  	s31 =	sshll.u32 s1, $0xD;
	s1 =	sshrl.u32 s1, $0x2  }
0xba: {  	s3 =	sand.u32 $0x4000, s31;
	s1 =	sadd.s32 s1, s30  }
0xbb: {  	s0 =	sor.u32 s3, s0;
	s1 =	sshll.u32 s1, $0x11  }
0xbc: {  	s0 =	sor.u32 s1, s0  }
0xbd: {  	s0 =	sadd.s32 $0x8F2B, s0  }
0xbe: {  	[sflag:s0] =	ssyncadd.remote.s32 $0x1  }
0xbf: {  	_ =	sfence.sel $0xFFFF  }
0xc0: {  	[dreg:$0x0] =	wrdreg $0xFFFFFFFF;
	(pc) =	sbr.abs _section_cstart, $3  }
0xc1: {  	[dreg:$0x1] =	wrdreg $0xFFFFFFFF  }
0xc2: {  	_ =	task.clear_ibuf [dreg:s7], $0x2FFFF;
	_ =	strace $0x9FFFFFFF  }
0xc3: {  	(tm) =	ssettm $0x7FFFFFFF  }
tec
execute0_lowered:
.L_overlay_start_1:
0x0: {  	(tag) =	ssettag $0x1  }
0x1: {  	s1 =	rddreg [dreg:$0x0]  }
0x2: {  	s2 =	srdreg.scid;
	s6 =	rddreg [dreg:$0x1]  }
0x3: {  	s0 =	stileid.u32;
	s3 =	rddreg [dreg:$0x2];
	s4 =	simm.s32 $0x0  }
0x4: {  	s18 =	simm.s32 $0x50;
	s19 =	simm.s32 $0x6780;
	s20 =	simm.s32 $0x8F80  }
0x5: {  	s21 =	simm.s32 $0x1;
	s22 =	simm.s32 $0x2;
	s23 =	simm.s32 $0x6480  }
0x6: {  	s24 =	simm.s32 $0x26C0;
	s25 =	simm.s32 $0x6500;
	s28 =	simm.s32 $0x0  }
0x7: {  	s7 =	sand.u32 $0x1, s2;
	s26 =	sshll.u32 s0, $0x1;
	s10 =	smul.u32 $0x3E80, s0  }
0x8: {  	[smem:$0x7FF] =	sst s4;
	s12 =	smul.u32 $0x7D000, s0;
	p0 =	sgt.u32 s0, $0x9  }
0x9: {  	s5 =	sor.u32 s7, s26;
	s9 =	smul.u32 $0x27100, s7;
	_ =	strace $0x8000004A  }
0xa: {  	s7 =	ssub.s32 $0x2, s7;
	s26 =	simm.s32 $0x6580;
	s8 =	smul.u32 $0x4E2, s5  }
0xb: {  	s5 =	sshll.u32 s5, $0xB;
	s29 =	sshrl.u32 s7, $0x1;
	s30 =	sshrl.u32 s12, $0x2  }
0xc: {  	s12 =	sshll.u32 @!p0 s0, $0x6;
	s11 =	sadd.s32 s5, s6;
	s5 =	sadd.s32 $0x1DE00, s6  }
0xd: {  	s9 =	sadd.s32 s10, s9;
	s31 =	ssub.s32 s7, s29;
	s13 =	sadd.s32 s30, s3  }
0xe: {  	s10 =	simm.s32 $0x3;
	s12 =	sor.u32 @!p0 $0x1C03, s12;
	s8 =	sadd.s32 s8, s6  }
0xf: {  	s9 =	sadd.s32 s9, s6;
	s7 =	sadd.s32 $0xDA00, s11;
	s14 =	sadd.s32 $0x6400, s13  }
0x10: {  	s15 =	sadd.s32 $0xC800, s13;
	s16 =	sadd.s32 $0x12C00, s13;
	s17 =	sadd.s32 $0x19000, s13  }
0x11: {  	s11 =	simm.s32 $0x2780;
	s13 =	sshrl.u32 @!p0 s13, $0x3;
	s6 =	sadd.s32 $0x3C00, s8  }
0x12: {  	s8 =	sadd.s32 $0x1EC00, s9;
	s9 =	smax.u32 s31, $0x1;
	s14 =	sshrl.u32 @!p0 s14, $0x3  }
0x13: {  	s15 =	sshrl.u32 @!p0 s15, $0x3;
	s16 =	sshrl.u32 @!p0 s16, $0x3;
	s17 =	sshrl.u32 @!p0 s17, $0x3  }
.LBB2_1:
0x14: {  	[tilespmem:s4], [sflag:$0x3] =	stream.linear.gather [hbm4b:s6+s4], $0x2710, $0x38;
	[tilespmem:$0x1F000] =	vst v63  }
0x15: {  	_ =	swait.ge [sflag:s10], $0x2710  }
0x16: {  	[sflag:s10] =	ssyncset.done $0x0  }
0x17: {  	[sflag:s10] =	ssyncadd.s32 $0xFFFFD8F0  }
0x18: {  	[tilespmem:s11], [sflag:$0x3] =	stream.linear.gather [hbm4b:s7+s4], $0x3E80, $0x38;
	[tilespmem:$0x1F000] =	vst v63  }
0x19: {  	_ =	swait.ge [sflag:s10], $0x3E80  }
0x1a: {  	[sflag:s10] =	ssyncset.done $0x0  }
0x1b: {  	s29 =	simm.s32 @!p0 $0x3;
	[sflag:s10] =	ssyncadd.s32 $0xFFFFC180  }
0x1c: {  	[spmem:s13], [sflag:s12] =	dma.local @!p0 [hbm:s5], $0xC80  }
0x1d: {  	_ =	swait.ge @!p0 [sflag:s29], $0xC80  }
0x1e: {  	[sflag:s29] =	ssyncset.done @!p0 $0x0  }
0x1f: {  	[sflag:s29] =	ssyncadd.s32 @!p0 $0xFFFFF380  }
0x20: {  	[spmem:s14], [sflag:s12] =	dma.local @!p0 [hbm:s5], $0xC80  }
0x21: {  	_ =	swait.ge @!p0 [sflag:s29], $0xC80  }
0x22: {  	[sflag:s29] =	ssyncset.done @!p0 $0x0  }
0x23: {  	[sflag:s29] =	ssyncadd.s32 @!p0 $0xFFFFF380  }
0x24: {  	[spmem:s15], [sflag:s12] =	dma.local @!p0 [hbm:s5], $0xC80  }
0x25: {  	_ =	swait.ge @!p0 [sflag:s29], $0xC80  }
0x26: {  	[sflag:s29] =	ssyncset.done @!p0 $0x0  }
0x27: {  	[sflag:s29] =	ssyncadd.s32 @!p0 $0xFFFFF380  }
0x28: {  	[spmem:s16], [sflag:s12] =	dma.local @!p0 [hbm:s5], $0xC80  }
0x29: {  	_ =	swait.ge @!p0 [sflag:s29], $0xC80  }
0x2a: {  	[sflag:s29] =	ssyncset.done @!p0 $0x0  }
0x2b: {  	[sflag:s29] =	ssyncadd.s32 @!p0 $0xFFFFF380  }
0x2c: {  	[spmem:s17], [sflag:s12] =	dma.local @!p0 [hbm:s5], $0xC80  }
0x2d: {  	_ =	swait.ge @!p0 [sflag:s29], $0xC80  }
0x2e: {  	[sflag:s29] =	ssyncset.done @!p0 $0x0  }
0x2f: {  	[sflag:s29] =	ssyncadd.s32 @!p0 $0xFFFFF380  }
0x30: {  	[bflag:$0x0] =	sbarrier.arrive $0xFFFF  }
0x31: {  	[tilespmem:s19], [sflag:$0x1] =	stream.indirect.gather [hbm4b:s1+s18], $0x80, s4, s18, $0xb8;
	[tilespmem:$0x1F000] =	vst v63  }
0x32: {  	_ = 	snop  }
0x33: {  	[tilespmem:s20], [sflag:$0x2] =	stream.indirect.gather [hbm4b:s1+s18], $0x80, s18, s18, $0xb8;
	[tilespmem:$0x1F000] =	vst v63  }
0x34: {  	_ =	swait.ge [sflag:s21], $0x2800  }
0x35: {  	[sflag:s21] =	ssyncset.done $0x0  }
0x36: {  	s29 =	simm.s32 $0x2780;
	[sflag:s21] =	ssyncadd.s32 $0xFFFFD800  }
0x37: {  	[spmem:s3] =	stream.indirect.scatter.add.f32 [tilespmem:s19], [sflag:$0x3], $0x80, s29, s18, $0xb8;
	[tilespmem:$0x1F000] =	vst v63  }
0x38: {  	_ =	swait.ge [sflag:s10], $0x2800  }
0x39: {  	[sflag:s10] =	ssyncset.done $0x0  }
0x3a: {  	s29 =	simm.s32 $0xA0;
	[sflag:s10] =	ssyncadd.s32 $0xFFFFD800  }
0x3b: {  	[tilespmem:s19], [sflag:$0x1] =	stream.indirect.gather [hbm4b:s1+s18], $0x80, s29, s18, $0xb8;
	[tilespmem:$0x1F000] =	vst v63  }
0x3c: {  	_ =	swait.ge [sflag:s22], $0x2800  }
0x3d: {  	[sflag:s22] =	ssyncset.done $0x0  }
0x3e: {  	s29 =	simm.s32 $0x2800;
	[sflag:s22] =	ssyncadd.s32 $0xFFFFD800  }
0x3f: {  	[spmem:s3] =	stream.indirect.scatter.add.f32 [tilespmem:s20], [sflag:$0x3], $0x80, s29, s18, $0xb8;
	[tilespmem:$0x1F000] =	vst v63  }
0x40: {  	_ =	swait.ge [sflag:s10], $0x2800  }
0x41: {  	s30 =	simm.s32 $0x400;
	[sflag:s10] =	ssyncset.done $0x0  }
0x42: {  	s31 =	simm.s32 $0x190;
	s29 =	simm.s32 $0xF0;
	[sflag:s10] =	ssyncadd.s32 $0xFFFFD800  }
.LBB2_2:
0x43: {  	[tilespmem:s20], [sflag:$0x2] =	stream.indirect.gather [hbm4b:s1+s18], $0x80, s29, s18, $0xb8;
	[tilespmem:$0x1F000] =	vst v63  }
0x44: {  	s2 =	smov.u32 s30;
	s29 =	smov.u32 s31  }
0x45: {  	p1 =	sne.s32 s30, $0xF000;
	s30 =	sadd.s32 $0x400, s30;
	_ =	swait.ge [sflag:s21], $0x2800  }
0x46: {  	s2 =	sshra.s32 s2, $0x2;
	[sflag:s21] =	ssyncset.done $0x0  }
0x47: {  	s0 =	sadd.s32 $0x2780, s2;
	[sflag:s21] =	ssyncadd.s32 $0xFFFFD800  }
0x48: {  	[spmem:s3] =	stream.indirect.scatter.add.f32 [tilespmem:s19], [sflag:$0x3], $0x80, s0, s18, $0xb8;
	[tilespmem:$0x1F000] =	vst v63  }
0x49: {  	_ =	swait.ge [sflag:s10], $0x2800  }
0x4a: {  	[sflag:s10] =	ssyncset.done $0x0  }
0x4b: {  	s0 =	sadd.s32 $0xFFFFFFB0, s31;
	[sflag:s10] =	ssyncadd.s32 $0xFFFFD800  }
0x4c: {  	[tilespmem:s19], [sflag:$0x1] =	stream.indirect.gather [hbm4b:s1+s18], $0x80, s0, s18, $0xb8;
	[tilespmem:$0x1F000] =	vst v63  }
0x4d: {  	_ =	swait.ge [sflag:s22], $0x2800  }
0x4e: {  	[sflag:s22] =	ssyncset.done $0x0  }
.Ltmp0:
0x4f: {  	s0 =	sadd.s32 $0x2800, s2;
	[sflag:s22] =	ssyncadd.s32 $0xFFFFD800;
	(pc) =	sbr.rel @p1 .LBB2_2-.Ltmp0, $4  }
0x50: {  	[spmem:s3] =	stream.indirect.scatter.add.f32 [tilespmem:s20], [sflag:$0x3], $0x80, s0, s18, $0xb8;
	[tilespmem:$0x1F000] =	vst v63  }
0x51: {  	_ =	swait.ge [sflag:s10], $0x2800  }
0x52: {  	[sflag:s10] =	ssyncset.done $0x0  }
0x53: {  	s31 =	sadd.s32 $0xA0, s31;
	[sflag:s10] =	ssyncadd.s32 $0xFFFFD800  }
0x54: {  	[tilespmem:s20], [sflag:$0x2] =	stream.indirect.gather [hbm4b:s1+s18], $0x80, s29, s18, $0xb8;
	[tilespmem:$0x1F000] =	vst v63  }
0x55: {  	_ =	swait.ge [sflag:s21], $0x2800  }
0x56: {  	[sflag:s21] =	ssyncset.done $0x0  }
0x57: {  	[sflag:s21] =	ssyncadd.s32 $0xFFFFD800  }
0x58: {  	[spmem:s3] =	stream.indirect.scatter.add.f32 [tilespmem:s19], [sflag:$0x3], $0x80, s23, s18, $0xb8;
	[tilespmem:$0x1F000] =	vst v63  }
0x59: {  	_ =	swait.ge [sflag:s10], $0x2800  }
0x5a: {  	[sflag:s10] =	ssyncset.done $0x0  }
0x5b: {  	[sflag:s10] =	ssyncadd.s32 $0xFFFFD800  }
0x5c: {  	[tilespmem:s19], [sflag:$0x1] =	stream.indirect.gather [hbm4b:s1+s18], $0x80, s24, s18, $0xb8;
	[tilespmem:$0x1F000] =	vst v63  }
0x5d: {  	_ =	swait.ge [sflag:s22], $0x2800  }
0x5e: {  	[sflag:s22] =	ssyncset.done $0x0  }
0x5f: {  	[sflag:s22] =	ssyncadd.s32 $0xFFFFD800  }
0x60: {  	[spmem:s3] =	stream.indirect.scatter.add.f32 [tilespmem:s20], [sflag:$0x3], $0x80, s25, s18, $0xb8;
	[tilespmem:$0x1F000] =	vst v63  }
0x61: {  	_ =	swait.ge [sflag:s10], $0x2800  }
0x62: {  	[sflag:s10] =	ssyncset.done $0x0  }
0x63: {  	[sflag:s10] =	ssyncadd.s32 $0xFFFFD800  }
0x64: {  	_ =	swait.ge [sflag:s21], $0x2800  }
0x65: {  	[sflag:s21] =	ssyncset.done $0x0  }
0x66: {  	[sflag:s21] =	ssyncadd.s32 $0xFFFFD800  }
0x67: {  	[spmem:s3] =	stream.indirect.scatter.add.f32 [tilespmem:s19], [sflag:$0x3], $0x80, s26, s18, $0xb8;
	[tilespmem:$0x1F000] =	vst v63  }
0x68: {  	_ =	swait.ge [sflag:s10], $0x2800  }
0x69: {  	s28 =	sadd.s32 $0x1, s28;
	[sflag:s10] =	ssyncset.done $0x0  }
0x6a: {  	p1 =	sne.s32 s28, s9;
	[sflag:s10] =	ssyncadd.s32 $0xFFFFD800  }
.Ltmp1:
0x6b: {  	s0 =	simm.s32 @!p0 $0x3;
	[bflag:$0x0] =	sbarrier.arrive $0xFFFF;
	(pc) =	sbr.rel @p1 .LBB2_1-.Ltmp1, $4  }
0x6c: {  	[hbm:s8], [sflag:s12] =	dma.local @!p0 [spmem:s13], $0x3E80  }
0x6d: {  	_ =	swait.ge @!p0 [sflag:s0], $0x3E80  }
0x6e: {  	[sflag:s0] =	ssyncset.done @!p0 $0x0  }
0x6f: {  	[sflag:s0] =	ssyncadd.s32 @!p0 $0xFFFFC180  }
0x70: {  	_ =	sfence.sel $0x180000  }
0x71: {  	[bflag:$0x0] =	sbarrier.arrive $0xFFFF  }
0x72: {  	_ =	strace $0x9000004A  }
0x73: {  	s0 =	stileid.u32;
	[bflag:$0x2] =	sbarrier.arrive $0xFFFF  }
0x74: {  	p0 =	sne.s32 s0, $0x0;
	s0 =	rddreg [dreg:$0x3]  }
0x75: {  	s0 =	sadd.s32 @!p0 $0x100000, s0  }
0x76: {  	[sflag:s0] =	ssyncadd.tile.s32 @!p0 $0x1;
	_ =	shalt  }
.Lfunc_end2:
_tile_overlayer_lowered:
.L_overlay_start_2:
0x77: {  	(tag) =	ssettag $0x2  }
0x78: {  	s0 =	rddreg [dreg:$0x0];
	s2 =	stileid.u32  }
0x79: {  	s1 =	rddreg [dreg:$0x1];
	p0 =	sne.s32 s2, $0x0  }
0x7a: {  	s3 =	rddreg [dreg:$0x2];
	[bflag:$0x3] =	sbarrier.arrive $0xFFFF;
	s2 =	simm.s32 @!p0 $0x1C03  }
0x7b: {  	[timem:s3], [sflag:s2] =	dma.local @!p0 [hbm:s0], s1  }
0x7c: {  	s0 =	simm.s32 @!p0 $0x3  }
0x7d: {  	_ =	swait.ge @!p0 [sflag:s0], s1  }
0x7e: {  	s1 =	ssub.s32 @!p0 $0x0, s1;
	[sflag:s0] =	ssyncset.done @!p0 $0x0  }
0x7f: {  	[sflag:s0] =	ssyncadd.s32 @!p0 s1  }
0x80: {  	[bflag:$0x3] =	sbarrier.arrive $0xFFFF  }
0x81: {  	_ =	shalt  }

</sc_bundles>
